<compile_context>
chip_gen: v7x
topology: tpu7x:2x2x1
jax: 0.10.2.dev20260603
libtpu: 0.0.44.dev20260713+nightly
codegen_flags: <defaults>
</compile_context>

<pallas_src>
import jax
import jax.numpy as jnp
from jax import lax
from jax.experimental import pallas as pl
from jax.experimental.pallas import tpu as pltpu
from jax.experimental.pallas import tpu_sc as plsc


_HR, _HC = 8, 128


def _head_body(w_ref, z_ref, h_ref):
    r = jax.lax.broadcasted_iota(jnp.int32, (_HR, _HC), 0)
    c = jax.lax.broadcasted_iota(jnp.int32, (_HR, _HC), 1)
    add = (w_ref[0] * ((r == 1) & (c == 3)).astype(jnp.float32)
           + w_ref[1] * ((r == 0) & (c == 2)).astype(jnp.float32)
           + w_ref[2] * ((r == 0) & (c == 1)).astype(jnp.float32))
    h_ref[...] = z_ref[...] + add



_G = 32
_XR = 262144 // _G


def _x_body(y_ref, x_ref, xo_ref):
    i = pl.program_id(0)
    xo_ref[...] = x_ref[...]

    @pl.when(i == 0)
    def _patch():
        r = jax.lax.broadcasted_iota(jnp.int32, (16, 256), 0)
        b = x_ref[0:16, :]
        b = jnp.where(r == 10, y_ref[0, :][None, :], b)
        b = jnp.where(r == 2, y_ref[1, :][None, :], b)
        b = jnp.where(r == 1, jnp.float32(45.0), b)
        xo_ref[0:16, :] = b



_ZROWS = 16384
_NW = 32
_SLAB = _ZROWS // _NW
_CR = 32
_NC = _SLAB // _CR
_NB = 3


def _z_body(z_hbm, h_hbm, out_hbm, b0, b1, b2, hv, s0, s1, s2, t0, t1, t2):
    bufs = (b0, b1, b2)
    sin = (s0, s1, s2)
    sout = (t0, t1, t2)
    wid = lax.axis_index("s") * 2 + lax.axis_index("c")
    base = wid * _SLAB
    reads, writes = [], []
    for c in range(_NC):
        b = c % _NB
        reads.append(pltpu.make_async_copy(
            z_hbm.at[pl.ds(base + c * _CR, _CR), :], bufs[b], sin[b]))
        writes.append(pltpu.make_async_copy(
            bufs[b], out_hbm.at[pl.ds(base + c * _CR, _CR), :], sout[b]))
    for c in range(_NB):
        reads[c].start()
    for c in range(_NC):
        p = c - 1
        if p >= 0 and p + _NB < _NC:
            writes[p].wait()
            reads[p + _NB].start()
        reads[c].wait()
        writes[c].start()
    for c in range(_NC - _NB, _NC):
        writes[c].wait()

    @pl.when(wid == 0)
    def _patch():
        pltpu.sync_copy(h_hbm, hv)
        pltpu.sync_copy(hv, out_hbm.at[pl.ds(0, _HR), pl.ds(0, _HC)])


def kernel(x, y, z, w):
    zh = jax.lax.slice(z, (0, 0), (_HR, _HC))
    head = pl.pallas_call(
        _head_body,
        in_specs=[
            pl.BlockSpec(memory_space=pltpu.SMEM),
            pl.BlockSpec((_HR, _HC), lambda: (0, 0)),
        ],
        out_specs=pl.BlockSpec((_HR, _HC), lambda: (0, 0)),
        out_shape=jax.ShapeDtypeStruct((_HR, _HC), jnp.float32),
    )(w, zh)

    zcall = pl.kernel(
        _z_body,
        out_type=jax.ShapeDtypeStruct(z.shape, z.dtype),
        mesh=plsc.VectorSubcoreMesh(core_axis_name="c", subcore_axis_name="s"),
        cost_estimate=pl.CostEstimate(
            flops=0, bytes_accessed=2 * 16384 * 1024 * 4, transcendentals=0),
        scratch_types=[
            pltpu.VMEM((_CR, 1024), jnp.float32),
            pltpu.VMEM((_CR, 1024), jnp.float32),
            pltpu.VMEM((_CR, 1024), jnp.float32),
            pltpu.VMEM((_HR, _HC), jnp.float32),
            pltpu.SemaphoreType.DMA,
            pltpu.SemaphoreType.DMA,
            pltpu.SemaphoreType.DMA,
            pltpu.SemaphoreType.DMA,
            pltpu.SemaphoreType.DMA,
            pltpu.SemaphoreType.DMA,
        ],
    )
    zo = zcall(z, head)

    xo = pl.pallas_call(
        _x_body,
        grid=(_G,),
        in_specs=[
            pl.BlockSpec((2, 256), lambda i: (0, 0)),
            pl.BlockSpec((_XR, 256), lambda i: (i, 0)),
        ],
        out_specs=pl.BlockSpec((_XR, 256), lambda i: (i, 0)),
        out_shape=jax.ShapeDtypeStruct(x.shape, x.dtype),
        compiler_params=pltpu.CompilerParams(
            dimension_semantics=("arbitrary",)),
        cost_estimate=pl.CostEstimate(
            flops=0, bytes_accessed=2 * 262144 * 256 * 4, transcendentals=0),
    )(y, x)
    return (xo, zo)

# --- scband reference (transcript-rebuilt; emitter-appended) ---
"""Pipeline reference for scband-model-8753143349592 (READ-ONLY COPY).

The authoritative reference and input builder live on the scoring server;
editing this copy changes nothing except your own understanding.
"""

import jax, jax.numpy as jnp
import numpy as np

def setup_inputs(seed: int = 0) -> dict:
    key = jax.random.key(seed)
    k1, k2, k3, k4 = jax.random.split(key, 4)
    x = jax.random.normal(k1, (262144, 256), dtype=jnp.float32)
    y = jax.random.normal(k2, (2, 256), dtype=jnp.float32)
    z = jax.random.normal(k3, (16384, 1024), dtype=jnp.float32)
    w = jax.random.normal(k4, (3,), dtype=jnp.float32)
    return {"x": x, "y": y, "z": z, "w": w}

def reference(x, y, z, w):
    # x = x.clone(); x.index_put_([tensor([10,2])], y, accumulate=False)
    idx_x = jnp.array([10, 2], dtype=jnp.int32)
    x = x.at[idx_x].set(y)
    # z = z.clone(); z.index_put_([tensor([1,0,0]), tensor([3,2,1])], w, accumulate=True)
    i0 = jnp.array([1, 0, 0], dtype=jnp.int32)
    i1 = jnp.array([3, 2, 1], dtype=jnp.int32)
    z = z.at[(i0, i1)].add(w)
    # x[tensor([1])] = 45.0
    x = x.at[jnp.array([1], dtype=jnp.int32)].set(jnp.float32(45.0))
    # x[tensor([], dtype=int64)] = 233.0  -> no-op (empty index set)
    return (x, z)

if __name__ == "__main__":
    import jax
    _d = setup_inputs()
    print(jax.jit(kernel)(*tuple(_d.values())))

</pallas_src>

<mosaic_0001>
#map = affine_map<(d0, d1) -> (0, 0)>
module attributes {stable_mosaic.version = 14 : i64} {
  func.func @_z_body(%arg0: i32, %arg1: i32, %arg2: memref<16384x1024xf32, #tpu.memory_space<hbm>>, %arg3: memref<8x128xf32, #tpu.memory_space<hbm>>, %arg4: memref<16384x1024xf32, #tpu.memory_space<hbm>>, %arg5: memref<32x1024xf32, #tpu.memory_space<vmem>>, %arg6: memref<32x1024xf32, #tpu.memory_space<vmem>>, %arg7: memref<32x1024xf32, #tpu.memory_space<vmem>>, %arg8: memref<8x128xf32, #tpu.memory_space<vmem>>, %arg9: memref<!tpu.dma_semaphore, #tpu.memory_space<semaphore_mem>>, %arg10: memref<!tpu.dma_semaphore, #tpu.memory_space<semaphore_mem>>, %arg11: memref<!tpu.dma_semaphore, #tpu.memory_space<semaphore_mem>>, %arg12: memref<!tpu.dma_semaphore, #tpu.memory_space<semaphore_mem>>, %arg13: memref<!tpu.dma_semaphore, #tpu.memory_space<semaphore_mem>>, %arg14: memref<!tpu.dma_semaphore, #tpu.memory_space<semaphore_mem>>) attributes {dimension_semantics = [#tpu.dimension_semantics<core_parallel>, #tpu.dimension_semantics<subcore_parallel>], iteration_bounds = array<i64: 2, 16>, scalar_prefetch = 0 : i64, scratch_operands = 10 : i64, tpu.core_type = #tpu.core_type<sc_vector_subcore>, window_params = [{transform_indices = #map}, {transform_indices = #map}, {transform_indices = #map}]} {
    %mul3A = arith.constant 2 : i32
    %mul3A_0 = arith.muli %arg1, %mul3A : i32
    %add3A = arith.addi %mul3A_0, %arg0 : i32
    %mul3A_1 = arith.constant 512 : i32
    %mul3A_2 = arith.muli %add3A, %mul3A_1 : i32
    %add3A_3 = arith.constant 0 : i32
    %add3A_4 = arith.addi %mul3A_2, %add3A_3 : i32
    %add3A_5 = arith.constant 0 : i32
    %add3A_6 = arith.addi %mul3A_2, %add3A_5 : i32
    %add3A_7 = arith.constant 32 : i32
    %add3A_8 = arith.addi %mul3A_2, %add3A_7 : i32
    %add3A_9 = arith.constant 32 : i32
    %add3A_10 = arith.addi %mul3A_2, %add3A_9 : i32
    %add3A_11 = arith.constant 64 : i32
    %add3A_12 = arith.addi %mul3A_2, %add3A_11 : i32
    %add3A_13 = arith.constant 64 : i32
    %add3A_14 = arith.addi %mul3A_2, %add3A_13 : i32
    %add3A_15 = arith.constant 96 : i32
    %add3A_16 = arith.addi %mul3A_2, %add3A_15 : i32
    %add3A_17 = arith.constant 96 : i32
    %add3A_18 = arith.addi %mul3A_2, %add3A_17 : i32
    %add3A_19 = arith.constant 128 : i32
    %add3A_20 = arith.addi %mul3A_2, %add3A_19 : i32
    %add3A_21 = arith.constant 128 : i32
    %add3A_22 = arith.addi %mul3A_2, %add3A_21 : i32
    %add3A_23 = arith.constant 160 : i32
    %add3A_24 = arith.addi %mul3A_2, %add3A_23 : i32
    %add3A_25 = arith.constant 160 : i32
    %add3A_26 = arith.addi %mul3A_2, %add3A_25 : i32
    %add3A_27 = arith.constant 192 : i32
    %add3A_28 = arith.addi %mul3A_2, %add3A_27 : i32
    %add3A_29 = arith.constant 192 : i32
    %add3A_30 = arith.addi %mul3A_2, %add3A_29 : i32
    %add3A_31 = arith.constant 224 : i32
    %add3A_32 = arith.addi %mul3A_2, %add3A_31 : i32
    %add3A_33 = arith.constant 224 : i32
    %add3A_34 = arith.addi %mul3A_2, %add3A_33 : i32
    %add3A_35 = arith.constant 256 : i32
    %add3A_36 = arith.addi %mul3A_2, %add3A_35 : i32
    %add3A_37 = arith.constant 256 : i32
    %add3A_38 = arith.addi %mul3A_2, %add3A_37 : i32
    %add3A_39 = arith.constant 288 : i32
    %add3A_40 = arith.addi %mul3A_2, %add3A_39 : i32
    %add3A_41 = arith.constant 288 : i32
    %add3A_42 = arith.addi %mul3A_2, %add3A_41 : i32
    %add3A_43 = arith.constant 320 : i32
    %add3A_44 = arith.addi %mul3A_2, %add3A_43 : i32
    %add3A_45 = arith.constant 320 : i32
    %add3A_46 = arith.addi %mul3A_2, %add3A_45 : i32
    %add3A_47 = arith.constant 352 : i32
    %add3A_48 = arith.addi %mul3A_2, %add3A_47 : i32
    %add3A_49 = arith.constant 352 : i32
    %add3A_50 = arith.addi %mul3A_2, %add3A_49 : i32
    %add3A_51 = arith.constant 384 : i32
    %add3A_52 = arith.addi %mul3A_2, %add3A_51 : i32
    %add3A_53 = arith.constant 384 : i32
    %add3A_54 = arith.addi %mul3A_2, %add3A_53 : i32
    %add3A_55 = arith.constant 416 : i32
    %add3A_56 = arith.addi %mul3A_2, %add3A_55 : i32
    %add3A_57 = arith.constant 416 : i32
    %add3A_58 = arith.addi %mul3A_2, %add3A_57 : i32
    %add3A_59 = arith.constant 448 : i32
    %add3A_60 = arith.addi %mul3A_2, %add3A_59 : i32
    %add3A_61 = arith.constant 448 : i32
    %add3A_62 = arith.addi %mul3A_2, %add3A_61 : i32
    %add3A_63 = arith.constant 480 : i32
    %add3A_64 = arith.addi %mul3A_2, %add3A_63 : i32
    %add3A_65 = arith.constant 480 : i32
    %add3A_66 = arith.addi %mul3A_2, %add3A_65 : i32
    %dma_start3A = arith.constant 0 : i32
    %dma_start3A_67 = tpu.memref_slice %arg2[%add3A_4, %dma_start3A] : memref<16384x1024xf32, #tpu.memory_space<hbm>> -> memref<32x1024xf32, #tpu.memory_space<hbm>>
    %dma_start3A_68 = arith.constant 0 : i32
    %dma_start3A_69 = tpu.memref_slice %arg2[%add3A_4, %dma_start3A_68] : memref<16384x1024xf32, #tpu.memory_space<hbm>> -> memref<32x1024xf32, #tpu.memory_space<hbm>>
    tpu.enqueue_dma source(%dma_start3A_69 : memref<32x1024xf32, #tpu.memory_space<hbm>>) target(%arg5 : memref<32x1024xf32, #tpu.memory_space<vmem>>) target_semaphore(%arg9 : memref<!tpu.dma_semaphore, #tpu.memory_space<semaphore_mem>>)
    %dma_start3A_70 = arith.constant 0 : i32
    %dma_start3A_71 = tpu.memref_slice %arg2[%add3A_8, %dma_start3A_70] : memref<16384x1024xf32, #tpu.memory_space<hbm>> -> memref<32x1024xf32, #tpu.memory_space<hbm>>
    %dma_start3A_72 = arith.constant 0 : i32
    %dma_start3A_73 = tpu.memref_slice %arg2[%add3A_8, %dma_start3A_72] : memref<16384x1024xf32, #tpu.memory_space<hbm>> -> memref<32x1024xf32, #tpu.memory_space<hbm>>
    tpu.enqueue_dma source(%dma_start3A_73 : memref<32x1024xf32, #tpu.memory_space<hbm>>) target(%arg6 : memref<32x1024xf32, #tpu.memory_space<vmem>>) target_semaphore(%arg10 : memref<!tpu.dma_semaphore, #tpu.memory_space<semaphore_mem>>)
    %dma_start3A_74 = arith.constant 0 : i32
    %dma_start3A_75 = tpu.memref_slice %arg2[%add3A_12, %dma_start3A_74] : memref<16384x1024xf32, #tpu.memory_space<hbm>> -> memref<32x1024xf32, #tpu.memory_space<hbm>>
    %dma_start3A_76 = arith.constant 0 : i32
    %dma_start3A_77 = tpu.memref_slice %arg2[%add3A_12, %dma_start3A_76] : memref<16384x1024xf32, #tpu.memory_space<hbm>> -> memref<32x1024xf32, #tpu.memory_space<hbm>>
    tpu.enqueue_dma source(%dma_start3A_77 : memref<32x1024xf32, #tpu.memory_space<hbm>>) target(%arg7 : memref<32x1024xf32, #tpu.memory_space<vmem>>) target_semaphore(%arg11 : memref<!tpu.dma_semaphore, #tpu.memory_space<semaphore_mem>>)
    %dma_wait3A = arith.constant 0 : i32
    %dma_wait3A_78 = tpu.memref_slice %arg2[%add3A_4, %dma_wait3A] : memref<16384x1024xf32, #tpu.memory_space<hbm>> -> memref<32x1024xf32, #tpu.memory_space<hbm>>
    %dma_wait3A_79 = arith.constant 0 : i32
    %dma_wait3A_80 = tpu.memref_slice %arg2[%add3A_4, %dma_wait3A_79] : memref<16384x1024xf32, #tpu.memory_space<hbm>> -> memref<32x1024xf32, #tpu.memory_space<hbm>>
    tpu.wait_dma2 semaphore(%arg9 : memref<!tpu.dma_semaphore, #tpu.memory_space<semaphore_mem>>) src(%dma_wait3A_80 : memref<32x1024xf32, #tpu.memory_space<hbm>>) dst(%arg5 : memref<32x1024xf32, #tpu.memory_space<vmem>>)
    %dma_start3A_81 = arith.constant 0 : i32
    %dma_start3A_82 = tpu.memref_slice %arg4[%add3A_6, %dma_start3A_81] : memref<16384x1024xf32, #tpu.memory_space<hbm>> -> memref<32x1024xf32, #tpu.memory_space<hbm>>
    %dma_start3A_83 = arith.constant 0 : i32
    %dma_start3A_84 = tpu.memref_slice %arg4[%add3A_6, %dma_start3A_83] : memref<16384x1024xf32, #tpu.memory_space<hbm>> -> memref<32x1024xf32, #tpu.memory_space<hbm>>
    tpu.enqueue_dma source(%arg5 : memref<32x1024xf32, #tpu.memory_space<vmem>>) target(%dma_start3A_84 : memref<32x1024xf32, #tpu.memory_space<hbm>>) target_semaphore(%arg12 : memref<!tpu.dma_semaphore, #tpu.memory_space<semaphore_mem>>)
    %dma_wait3A_85 = arith.constant 0 : i32
    %dma_wait3A_86 = tpu.memref_slice %arg4[%add3A_6, %dma_wait3A_85] : memref<16384x1024xf32, #tpu.memory_space<hbm>> -> memref<32x1024xf32, #tpu.memory_space<hbm>>
    %dma_wait3A_87 = arith.constant 0 : i32
    %dma_wait3A_88 = tpu.memref_slice %arg4[%add3A_6, %dma_wait3A_87] : memref<16384x1024xf32, #tpu.memory_space<hbm>> -> memref<32x1024xf32, #tpu.memory_space<hbm>>
    tpu.wait_dma2 semaphore(%arg12 : memref<!tpu.dma_semaphore, #tpu.memory_space<semaphore_mem>>) src(%arg5 : memref<32x1024xf32, #tpu.memory_space<vmem>>) dst(%dma_wait3A_88 : memref<32x1024xf32, #tpu.memory_space<hbm>>)
    %dma_start3A_89 = arith.constant 0 : i32
    %dma_start3A_90 = tpu.memref_slice %arg2[%add3A_16, %dma_start3A_89] : memref<16384x1024xf32, #tpu.memory_space<hbm>> -> memref<32x1024xf32, #tpu.memory_space<hbm>>
    %dma_start3A_91 = arith.constant 0 : i32
    %dma_start3A_92 = tpu.memref_slice %arg2[%add3A_16, %dma_start3A_91] : memref<16384x1024xf32, #tpu.memory_space<hbm>> -> memref<32x1024xf32, #tpu.memory_space<hbm>>
    tpu.enqueue_dma source(%dma_start3A_92 : memref<32x1024xf32, #tpu.memory_space<hbm>>) target(%arg5 : memref<32x1024xf32, #tpu.memory_space<vmem>>) target_semaphore(%arg9 : memref<!tpu.dma_semaphore, #tpu.memory_space<semaphore_mem>>)
    %dma_wait3A_93 = arith.constant 0 : i32
    %dma_wait3A_94 = tpu.memref_slice %arg2[%add3A_8, %dma_wait3A_93] : memref<16384x1024xf32, #tpu.memory_space<hbm>> -> memref<32x1024xf32, #tpu.memory_space<hbm>>
    %dma_wait3A_95 = arith.constant 0 : i32
    %dma_wait3A_96 = tpu.memref_slice %arg2[%add3A_8, %dma_wait3A_95] : memref<16384x1024xf32, #tpu.memory_space<hbm>> -> memref<32x1024xf32, #tpu.memory_space<hbm>>
    tpu.wait_dma2 semaphore(%arg10 : memref<!tpu.dma_semaphore, #tpu.memory_space<semaphore_mem>>) src(%dma_wait3A_96 : memref<32x1024xf32, #tpu.memory_space<hbm>>) dst(%arg6 : memref<32x1024xf32, #tpu.memory_space<vmem>>)
    %dma_start3A_97 = arith.constant 0 : i32
    %dma_start3A_98 = tpu.memref_slice %arg4[%add3A_10, %dma_start3A_97] : memref<16384x1024xf32, #tpu.memory_space<hbm>> -> memref<32x1024xf32, #tpu.memory_space<hbm>>
    %dma_start3A_99 = arith.constant 0 : i32
    %dma_start3A_100 = tpu.memref_slice %arg4[%add3A_10, %dma_start3A_99] : memref<16384x1024xf32, #tpu.memory_space<hbm>> -> memref<32x1024xf32, #tpu.memory_space<hbm>>
    tpu.enqueue_dma source(%arg6 : memref<32x1024xf32, #tpu.memory_space<vmem>>) target(%dma_start3A_100 : memref<32x1024xf32, #tpu.memory_space<hbm>>) target_semaphore(%arg13 : memref<!tpu.dma_semaphore, #tpu.memory_space<semaphore_mem>>)
    %dma_wait3A_101 = arith.constant 0 : i32
    %dma_wait3A_102 = tpu.memref_slice %arg4[%add3A_10, %dma_wait3A_101] : memref<16384x1024xf32, #tpu.memory_space<hbm>> -> memref<32x1024xf32, #tpu.memory_space<hbm>>
    %dma_wait3A_103 = arith.constant 0 : i32
    %dma_wait3A_104 = tpu.memref_slice %arg4[%add3A_10, %dma_wait3A_103] : memref<16384x1024xf32, #tpu.memory_space<hbm>> -> memref<32x1024xf32, #tpu.memory_space<hbm>>
    tpu.wait_dma2 semaphore(%arg13 : memref<!tpu.dma_semaphore, #tpu.memory_space<semaphore_mem>>) src(%arg6 : memref<32x1024xf32, #tpu.memory_space<vmem>>) dst(%dma_wait3A_104 : memref<32x1024xf32, #tpu.memory_space<hbm>>)
    %dma_start3A_105 = arith.constant 0 : i32
    %dma_start3A_106 = tpu.memref_slice %arg2[%add3A_20, %dma_start3A_105] : memref<16384x1024xf32, #tpu.memory_space<hbm>> -> memref<32x1024xf32, #tpu.memory_space<hbm>>
    %dma_start3A_107 = arith.constant 0 : i32
    %dma_start3A_108 = tpu.memref_slice %arg2[%add3A_20, %dma_start3A_107] : memref<16384x1024xf32, #tpu.memory_space<hbm>> -> memref<32x1024xf32, #tpu.memory_space<hbm>>
    tpu.enqueue_dma source(%dma_start3A_108 : memref<32x1024xf32, #tpu.memory_space<hbm>>) target(%arg6 : memref<32x1024xf32, #tpu.memory_space<vmem>>) target_semaphore(%arg10 : memref<!tpu.dma_semaphore, #tpu.memory_space<semaphore_mem>>)
    %dma_wait3A_109 = arith.constant 0 : i32
    %dma_wait3A_110 = tpu.memref_slice %arg2[%add3A_12, %dma_wait3A_109] : memref<16384x1024xf32, #tpu.memory_space<hbm>> -> memref<32x1024xf32, #tpu.memory_space<hbm>>
    %dma_wait3A_111 = arith.constant 0 : i32
    %dma_wait3A_112 = tpu.memref_slice %arg2[%add3A_12, %dma_wait3A_111] : memref<16384x1024xf32, #tpu.memory_space<hbm>> -> memref<32x1024xf32, #tpu.memory_space<hbm>>
    tpu.wait_dma2 semaphore(%arg11 : memref<!tpu.dma_semaphore, #tpu.memory_space<semaphore_mem>>) src(%dma_wait3A_112 : memref<32x1024xf32, #tpu.memory_space<hbm>>) dst(%arg7 : memref<32x1024xf32, #tpu.memory_space<vmem>>)
    %dma_start3A_113 = arith.constant 0 : i32
    %dma_start3A_114 = tpu.memref_slice %arg4[%add3A_14, %dma_start3A_113] : memref<16384x1024xf32, #tpu.memory_space<hbm>> -> memref<32x1024xf32, #tpu.memory_space<hbm>>
    %dma_start3A_115 = arith.constant 0 : i32
    %dma_start3A_116 = tpu.memref_slice %arg4[%add3A_14, %dma_start3A_115] : memref<16384x1024xf32, #tpu.memory_space<hbm>> -> memref<32x1024xf32, #tpu.memory_space<hbm>>
    tpu.enqueue_dma source(%arg7 : memref<32x1024xf32, #tpu.memory_space<vmem>>) target(%dma_start3A_116 : memref<32x1024xf32, #tpu.memory_space<hbm>>) target_semaphore(%arg14 : memref<!tpu.dma_semaphore, #tpu.memory_space<semaphore_mem>>)
    %dma_wait3A_117 = arith.constant 0 : i32
    %dma_wait3A_118 = tpu.memref_slice %arg4[%add3A_14, %dma_wait3A_117] : memref<16384x1024xf32, #tpu.memory_space<hbm>> -> memref<32x1024xf32, #tpu.memory_space<hbm>>
    %dma_wait3A_119 = arith.constant 0 : i32
    %dma_wait3A_120 = tpu.memref_slice %arg4[%add3A_14, %dma_wait3A_119] : memref<16384x1024xf32, #tpu.memory_space<hbm>> -> memref<32x1024xf32, #tpu.memory_space<hbm>>
    tpu.wait_dma2 semaphore(%arg14 : memref<!tpu.dma_semaphore, #tpu.memory_space<semaphore_mem>>) src(%arg7 : memref<32x1024xf32, #tpu.memory_space<vmem>>) dst(%dma_wait3A_120 : memref<32x1024xf32, #tpu.memory_space<hbm>>)
    %dma_start3A_121 = arith.constant 0 : i32
    %dma_start3A_122 = tpu.memref_slice %arg2[%add3A_24, %dma_start3A_121] : memref<16384x1024xf32, #tpu.memory_space<hbm>> -> memref<32x1024xf32, #tpu.memory_space<hbm>>
    %dma_start3A_123 = arith.constant 0 : i32
    %dma_start3A_124 = tpu.memref_slice %arg2[%add3A_24, %dma_start3A_123] : memref<16384x1024xf32, #tpu.memory_space<hbm>> -> memref<32x1024xf32, #tpu.memory_space<hbm>>
    tpu.enqueue_dma source(%dma_start3A_124 : memref<32x1024xf32, #tpu.memory_space<hbm>>) target(%arg7 : memref<32x1024xf32, #tpu.memory_space<vmem>>) target_semaphore(%arg11 : memref<!tpu.dma_semaphore, #tpu.memory_space<semaphore_mem>>)
    %dma_wait3A_125 = arith.constant 0 : i32
    %dma_wait3A_126 = tpu.memref_slice %arg2[%add3A_16, %dma_wait3A_125] : memref<16384x1024xf32, #tpu.memory_space<hbm>> -> memref<32x1024xf32, #tpu.memory_space<hbm>>
    %dma_wait3A_127 = arith.constant 0 : i32
    %dma_wait3A_128 = tpu.memref_slice %arg2[%add3A_16, %dma_wait3A_127] : memref<16384x1024xf32, #tpu.memory_space<hbm>> -> memref<32x1024xf32, #tpu.memory_space<hbm>>
    tpu.wait_dma2 semaphore(%arg9 : memref<!tpu.dma_semaphore, #tpu.memory_space<semaphore_mem>>) src(%dma_wait3A_128 : memref<32x1024xf32, #tpu.memory_space<hbm>>) dst(%arg5 : memref<32x1024xf32, #tpu.memory_space<vmem>>)
    %dma_start3A_129 = arith.constant 0 : i32
    %dma_start3A_130 = tpu.memref_slice %arg4[%add3A_18, %dma_start3A_129] : memref<16384x1024xf32, #tpu.memory_space<hbm>> -> memref<32x1024xf32, #tpu.memory_space<hbm>>
    %dma_start3A_131 = arith.constant 0 : i32
    %dma_start3A_132 = tpu.memref_slice %arg4[%add3A_18, %dma_start3A_131] : memref<16384x1024xf32, #tpu.memory_space<hbm>> -> memref<32x1024xf32, #tpu.memory_space<hbm>>
    tpu.enqueue_dma source(%arg5 : memref<32x1024xf32, #tpu.memory_space<vmem>>) target(%dma_start3A_132 : memref<32x1024xf32, #tpu.memory_space<hbm>>) target_semaphore(%arg12 : memref<!tpu.dma_semaphore, #tpu.memory_space<semaphore_mem>>)
    %dma_wait3A_133 = arith.constant 0 : i32
    %dma_wait3A_134 = tpu.memref_slice %arg4[%add3A_18, %dma_wait3A_133] : memref<16384x1024xf32, #tpu.memory_space<hbm>> -> memref<32x1024xf32, #tpu.memory_space<hbm>>
    %dma_wait3A_135 = arith.constant 0 : i32
    %dma_wait3A_136 = tpu.memref_slice %arg4[%add3A_18, %dma_wait3A_135] : memref<16384x1024xf32, #tpu.memory_space<hbm>> -> memref<32x1024xf32, #tpu.memory_space<hbm>>
    tpu.wait_dma2 semaphore(%arg12 : memref<!tpu.dma_semaphore, #tpu.memory_space<semaphore_mem>>) src(%arg5 : memref<32x1024xf32, #tpu.memory_space<vmem>>) dst(%dma_wait3A_136 : memref<32x1024xf32, #tpu.memory_space<hbm>>)
    %dma_start3A_137 = arith.constant 0 : i32
    %dma_start3A_138 = tpu.memref_slice %arg2[%add3A_28, %dma_start3A_137] : memref<16384x1024xf32, #tpu.memory_space<hbm>> -> memref<32x1024xf32, #tpu.memory_space<hbm>>
    %dma_start3A_139 = arith.constant 0 : i32
    %dma_start3A_140 = tpu.memref_slice %arg2[%add3A_28, %dma_start3A_139] : memref<16384x1024xf32, #tpu.memory_space<hbm>> -> memref<32x1024xf32, #tpu.memory_space<hbm>>
    tpu.enqueue_dma source(%dma_start3A_140 : memref<32x1024xf32, #tpu.memory_space<hbm>>) target(%arg5 : memref<32x1024xf32, #tpu.memory_space<vmem>>) target_semaphore(%arg9 : memref<!tpu.dma_semaphore, #tpu.memory_space<semaphore_mem>>)
    %dma_wait3A_141 = arith.constant 0 : i32
    %dma_wait3A_142 = tpu.memref_slice %arg2[%add3A_20, %dma_wait3A_141] : memref<16384x1024xf32, #tpu.memory_space<hbm>> -> memref<32x1024xf32, #tpu.memory_space<hbm>>
    %dma_wait3A_143 = arith.constant 0 : i32
    %dma_wait3A_144 = tpu.memref_slice %arg2[%add3A_20, %dma_wait3A_143] : memref<16384x1024xf32, #tpu.memory_space<hbm>> -> memref<32x1024xf32, #tpu.memory_space<hbm>>
    tpu.wait_dma2 semaphore(%arg10 : memref<!tpu.dma_semaphore, #tpu.memory_space<semaphore_mem>>) src(%dma_wait3A_144 : memref<32x1024xf32, #tpu.memory_space<hbm>>) dst(%arg6 : memref<32x1024xf32, #tpu.memory_space<vmem>>)
    %dma_start3A_145 = arith.constant 0 : i32
    %dma_start3A_146 = tpu.memref_slice %arg4[%add3A_22, %dma_start3A_145] : memref<16384x1024xf32, #tpu.memory_space<hbm>> -> memref<32x1024xf32, #tpu.memory_space<hbm>>
    %dma_start3A_147 = arith.constant 0 : i32
    %dma_start3A_148 = tpu.memref_slice %arg4[%add3A_22, %dma_start3A_147] : memref<16384x1024xf32, #tpu.memory_space<hbm>> -> memref<32x1024xf32, #tpu.memory_space<hbm>>
    tpu.enqueue_dma source(%arg6 : memref<32x1024xf32, #tpu.memory_space<vmem>>) target(%dma_start3A_148 : memref<32x1024xf32, #tpu.memory_space<hbm>>) target_semaphore(%arg13 : memref<!tpu.dma_semaphore, #tpu.memory_space<semaphore_mem>>)
    %dma_wait3A_149 = arith.constant 0 : i32
    %dma_wait3A_150 = tpu.memref_slice %arg4[%add3A_22, %dma_wait3A_149] : memref<16384x1024xf32, #tpu.memory_space<hbm>> -> memref<32x1024xf32, #tpu.memory_space<hbm>>
    %dma_wait3A_151 = arith.constant 0 : i32
    %dma_wait3A_152 = tpu.memref_slice %arg4[%add3A_22, %dma_wait3A_151] : memref<16384x1024xf32, #tpu.memory_space<hbm>> -> memref<32x1024xf32, #tpu.memory_space<hbm>>
    tpu.wait_dma2 semaphore(%arg13 : memref<!tpu.dma_semaphore, #tpu.memory_space<semaphore_mem>>) src(%arg6 : memref<32x1024xf32, #tpu.memory_space<vmem>>) dst(%dma_wait3A_152 : memref<32x1024xf32, #tpu.memory_space<hbm>>)
    %dma_start3A_153 = arith.constant 0 : i32
    %dma_start3A_154 = tpu.memref_slice %arg2[%add3A_32, %dma_start3A_153] : memref<16384x1024xf32, #tpu.memory_space<hbm>> -> memref<32x1024xf32, #tpu.memory_space<hbm>>
    %dma_start3A_155 = arith.constant 0 : i32
    %dma_start3A_156 = tpu.memref_slice %arg2[%add3A_32, %dma_start3A_155] : memref<16384x1024xf32, #tpu.memory_space<hbm>> -> memref<32x1024xf32, #tpu.memory_space<hbm>>
    tpu.enqueue_dma source(%dma_start3A_156 : memref<32x1024xf32, #tpu.memory_space<hbm>>) target(%arg6 : memref<32x1024xf32, #tpu.memory_space<vmem>>) target_semaphore(%arg10 : memref<!tpu.dma_semaphore, #tpu.memory_space<semaphore_mem>>)
    %dma_wait3A_157 = arith.constant 0 : i32
    %dma_wait3A_158 = tpu.memref_slice %arg2[%add3A_24, %dma_wait3A_157] : memref<16384x1024xf32, #tpu.memory_space<hbm>> -> memref<32x1024xf32, #tpu.memory_space<hbm>>
    %dma_wait3A_159 = arith.constant 0 : i32
    %dma_wait3A_160 = tpu.memref_slice %arg2[%add3A_24, %dma_wait3A_159] : memref<16384x1024xf32, #tpu.memory_space<hbm>> -> memref<32x1024xf32, #tpu.memory_space<hbm>>
    tpu.wait_dma2 semaphore(%arg11 : memref<!tpu.dma_semaphore, #tpu.memory_space<semaphore_mem>>) src(%dma_wait3A_160 : memref<32x1024xf32, #tpu.memory_space<hbm>>) dst(%arg7 : memref<32x1024xf32, #tpu.memory_space<vmem>>)
    %dma_start3A_161 = arith.constant 0 : i32
    %dma_start3A_162 = tpu.memref_slice %arg4[%add3A_26, %dma_start3A_161] : memref<16384x1024xf32, #tpu.memory_space<hbm>> -> memref<32x1024xf32, #tpu.memory_space<hbm>>
    %dma_start3A_163 = arith.constant 0 : i32
    %dma_start3A_164 = tpu.memref_slice %arg4[%add3A_26, %dma_start3A_163] : memref<16384x1024xf32, #tpu.memory_space<hbm>> -> memref<32x1024xf32, #tpu.memory_space<hbm>>
    tpu.enqueue_dma source(%arg7 : memref<32x1024xf32, #tpu.memory_space<vmem>>) target(%dma_start3A_164 : memref<32x1024xf32, #tpu.memory_space<hbm>>) target_semaphore(%arg14 : memref<!tpu.dma_semaphore, #tpu.memory_space<semaphore_mem>>)
    %dma_wait3A_165 = arith.constant 0 : i32
    %dma_wait3A_166 = tpu.memref_slice %arg4[%add3A_26, %dma_wait3A_165] : memref<16384x1024xf32, #tpu.memory_space<hbm>> -> memref<32x1024xf32, #tpu.memory_space<hbm>>
    %dma_wait3A_167 = arith.constant 0 : i32
    %dma_wait3A_168 = tpu.memref_slice %arg4[%add3A_26, %dma_wait3A_167] : memref<16384x1024xf32, #tpu.memory_space<hbm>> -> memref<32x1024xf32, #tpu.memory_space<hbm>>
    tpu.wait_dma2 semaphore(%arg14 : memref<!tpu.dma_semaphore, #tpu.memory_space<semaphore_mem>>) src(%arg7 : memref<32x1024xf32, #tpu.memory_space<vmem>>) dst(%dma_wait3A_168 : memref<32x1024xf32, #tpu.memory_space<hbm>>)
    %dma_start3A_169 = arith.constant 0 : i32
    %dma_start3A_170 = tpu.memref_slice %arg2[%add3A_36, %dma_start3A_169] : memref<16384x1024xf32, #tpu.memory_space<hbm>> -> memref<32x1024xf32, #tpu.memory_space<hbm>>
    %dma_start3A_171 = arith.constant 0 : i32
    %dma_start3A_172 = tpu.memref_slice %arg2[%add3A_36, %dma_start3A_171] : memref<16384x1024xf32, #tpu.memory_space<hbm>> -> memref<32x1024xf32, #tpu.memory_space<hbm>>
    tpu.enqueue_dma source(%dma_start3A_172 : memref<32x1024xf32, #tpu.memory_space<hbm>>) target(%arg7 : memref<32x1024xf32, #tpu.memory_space<vmem>>) target_semaphore(%arg11 : memref<!tpu.dma_semaphore, #tpu.memory_space<semaphore_mem>>)
    %dma_wait3A_173 = arith.constant 0 : i32
    %dma_wait3A_174 = tpu.memref_slice %arg2[%add3A_28, %dma_wait3A_173] : memref<16384x1024xf32, #tpu.memory_space<hbm>> -> memref<32x1024xf32, #tpu.memory_space<hbm>>
    %dma_wait3A_175 = arith.constant 0 : i32
    %dma_wait3A_176 = tpu.memref_slice %arg2[%add3A_28, %dma_wait3A_175] : memref<16384x1024xf32, #tpu.memory_space<hbm>> -> memref<32x1024xf32, #tpu.memory_space<hbm>>
    tpu.wait_dma2 semaphore(%arg9 : memref<!tpu.dma_semaphore, #tpu.memory_space<semaphore_mem>>) src(%dma_wait3A_176 : memref<32x1024xf32, #tpu.memory_space<hbm>>) dst(%arg5 : memref<32x1024xf32, #tpu.memory_space<vmem>>)
    %dma_start3A_177 = arith.constant 0 : i32
    %dma_start3A_178 = tpu.memref_slice %arg4[%add3A_30, %dma_start3A_177] : memref<16384x1024xf32, #tpu.memory_space<hbm>> -> memref<32x1024xf32, #tpu.memory_space<hbm>>
    %dma_start3A_179 = arith.constant 0 : i32
    %dma_start3A_180 = tpu.memref_slice %arg4[%add3A_30, %dma_start3A_179] : memref<16384x1024xf32, #tpu.memory_space<hbm>> -> memref<32x1024xf32, #tpu.memory_space<hbm>>
    tpu.enqueue_dma source(%arg5 : memref<32x1024xf32, #tpu.memory_space<vmem>>) target(%dma_start3A_180 : memref<32x1024xf32, #tpu.memory_space<hbm>>) target_semaphore(%arg12 : memref<!tpu.dma_semaphore, #tpu.memory_space<semaphore_mem>>)
    %dma_wait3A_181 = arith.constant 0 : i32
    %dma_wait3A_182 = tpu.memref_slice %arg4[%add3A_30, %dma_wait3A_181] : memref<16384x1024xf32, #tpu.memory_space<hbm>> -> memref<32x1024xf32, #tpu.memory_space<hbm>>
    %dma_wait3A_183 = arith.constant 0 : i32
    %dma_wait3A_184 = tpu.memref_slice %arg4[%add3A_30, %dma_wait3A_183] : memref<16384x1024xf32, #tpu.memory_space<hbm>> -> memref<32x1024xf32, #tpu.memory_space<hbm>>
    tpu.wait_dma2 semaphore(%arg12 : memref<!tpu.dma_semaphore, #tpu.memory_space<semaphore_mem>>) src(%arg5 : memref<32x1024xf32, #tpu.memory_space<vmem>>) dst(%dma_wait3A_184 : memref<32x1024xf32, #tpu.memory_space<hbm>>)
    %dma_start3A_185 = arith.constant 0 : i32
    %dma_start3A_186 = tpu.memref_slice %arg2[%add3A_40, %dma_start3A_185] : memref<16384x1024xf32, #tpu.memory_space<hbm>> -> memref<32x1024xf32, #tpu.memory_space<hbm>>
    %dma_start3A_187 = arith.constant 0 : i32
    %dma_start3A_188 = tpu.memref_slice %arg2[%add3A_40, %dma_start3A_187] : memref<16384x1024xf32, #tpu.memory_space<hbm>> -> memref<32x1024xf32, #tpu.memory_space<hbm>>
    tpu.enqueue_dma source(%dma_start3A_188 : memref<32x1024xf32, #tpu.memory_space<hbm>>) target(%arg5 : memref<32x1024xf32, #tpu.memory_space<vmem>>) target_semaphore(%arg9 : memref<!tpu.dma_semaphore, #tpu.memory_space<semaphore_mem>>)
    %dma_wait3A_189 = arith.constant 0 : i32
    %dma_wait3A_190 = tpu.memref_slice %arg2[%add3A_32, %dma_wait3A_189] : memref<16384x1024xf32, #tpu.memory_space<hbm>> -> memref<32x1024xf32, #tpu.memory_space<hbm>>
    %dma_wait3A_191 = arith.constant 0 : i32
    %dma_wait3A_192 = tpu.memref_slice %arg2[%add3A_32, %dma_wait3A_191] : memref<16384x1024xf32, #tpu.memory_space<hbm>> -> memref<32x1024xf32, #tpu.memory_space<hbm>>
    tpu.wait_dma2 semaphore(%arg10 : memref<!tpu.dma_semaphore, #tpu.memory_space<semaphore_mem>>) src(%dma_wait3A_192 : memref<32x1024xf32, #tpu.memory_space<hbm>>) dst(%arg6 : memref<32x1024xf32, #tpu.memory_space<vmem>>)
    %dma_start3A_193 = arith.constant 0 : i32
    %dma_start3A_194 = tpu.memref_slice %arg4[%add3A_34, %dma_start3A_193] : memref<16384x1024xf32, #tpu.memory_space<hbm>> -> memref<32x1024xf32, #tpu.memory_space<hbm>>
    %dma_start3A_195 = arith.constant 0 : i32
    %dma_start3A_196 = tpu.memref_slice %arg4[%add3A_34, %dma_start3A_195] : memref<16384x1024xf32, #tpu.memory_space<hbm>> -> memref<32x1024xf32, #tpu.memory_space<hbm>>
    tpu.enqueue_dma source(%arg6 : memref<32x1024xf32, #tpu.memory_space<vmem>>) target(%dma_start3A_196 : memref<32x1024xf32, #tpu.memory_space<hbm>>) target_semaphore(%arg13 : memref<!tpu.dma_semaphore, #tpu.memory_space<semaphore_mem>>)
    %dma_wait3A_197 = arith.constant 0 : i32
    %dma_wait3A_198 = tpu.memref_slice %arg4[%add3A_34, %dma_wait3A_197] : memref<16384x1024xf32, #tpu.memory_space<hbm>> -> memref<32x1024xf32, #tpu.memory_space<hbm>>
    %dma_wait3A_199 = arith.constant 0 : i32
    %dma_wait3A_200 = tpu.memref_slice %arg4[%add3A_34, %dma_wait3A_199] : memref<16384x1024xf32, #tpu.memory_space<hbm>> -> memref<32x1024xf32, #tpu.memory_space<hbm>>
    tpu.wait_dma2 semaphore(%arg13 : memref<!tpu.dma_semaphore, #tpu.memory_space<semaphore_mem>>) src(%arg6 : memref<32x1024xf32, #tpu.memory_space<vmem>>) dst(%dma_wait3A_200 : memref<32x1024xf32, #tpu.memory_space<hbm>>)
    %dma_start3A_201 = arith.constant 0 : i32
    %dma_start3A_202 = tpu.memref_slice %arg2[%add3A_44, %dma_start3A_201] : memref<16384x1024xf32, #tpu.memory_space<hbm>> -> memref<32x1024xf32, #tpu.memory_space<hbm>>
    %dma_start3A_203 = arith.constant 0 : i32
    %dma_start3A_204 = tpu.memref_slice %arg2[%add3A_44, %dma_start3A_203] : memref<16384x1024xf32, #tpu.memory_space<hbm>> -> memref<32x1024xf32, #tpu.memory_space<hbm>>
    tpu.enqueue_dma source(%dma_start3A_204 : memref<32x1024xf32, #tpu.memory_space<hbm>>) target(%arg6 : memref<32x1024xf32, #tpu.memory_space<vmem>>) target_semaphore(%arg10 : memref<!tpu.dma_semaphore, #tpu.memory_space<semaphore_mem>>)
    %dma_wait3A_205 = arith.constant 0 : i32
    %dma_wait3A_206 = tpu.memref_slice %arg2[%add3A_36, %dma_wait3A_205] : memref<16384x1024xf32, #tpu.memory_space<hbm>> -> memref<32x1024xf32, #tpu.memory_space<hbm>>
    %dma_wait3A_207 = arith.constant 0 : i32
    %dma_wait3A_208 = tpu.memref_slice %arg2[%add3A_36, %dma_wait3A_207] : memref<16384x1024xf32, #tpu.memory_space<hbm>> -> memref<32x1024xf32, #tpu.memory_space<hbm>>
    tpu.wait_dma2 semaphore(%arg11 : memref<!tpu.dma_semaphore, #tpu.memory_space<semaphore_mem>>) src(%dma_wait3A_208 : memref<32x1024xf32, #tpu.memory_space<hbm>>) dst(%arg7 : memref<32x1024xf32, #tpu.memory_space<vmem>>)
    %dma_start3A_209 = arith.constant 0 : i32
    %dma_start3A_210 = tpu.memref_slice %arg4[%add3A_38, %dma_start3A_209] : memref<16384x1024xf32, #tpu.memory_space<hbm>> -> memref<32x1024xf32, #tpu.memory_space<hbm>>
    %dma_start3A_211 = arith.constant 0 : i32
    %dma_start3A_212 = tpu.memref_slice %arg4[%add3A_38, %dma_start3A_211] : memref<16384x1024xf32, #tpu.memory_space<hbm>> -> memref<32x1024xf32, #tpu.memory_space<hbm>>
    tpu.enqueue_dma source(%arg7 : memref<32x1024xf32, #tpu.memory_space<vmem>>) target(%dma_start3A_212 : memref<32x1024xf32, #tpu.memory_space<hbm>>) target_semaphore(%arg14 : memref<!tpu.dma_semaphore, #tpu.memory_space<semaphore_mem>>)
    %dma_wait3A_213 = arith.constant 0 : i32
    %dma_wait3A_214 = tpu.memref_slice %arg4[%add3A_38, %dma_wait3A_213] : memref<16384x1024xf32, #tpu.memory_space<hbm>> -> memref<32x1024xf32, #tpu.memory_space<hbm>>
    %dma_wait3A_215 = arith.constant 0 : i32
    %dma_wait3A_216 = tpu.memref_slice %arg4[%add3A_38, %dma_wait3A_215] : memref<16384x1024xf32, #tpu.memory_space<hbm>> -> memref<32x1024xf32, #tpu.memory_space<hbm>>
    tpu.wait_dma2 semaphore(%arg14 : memref<!tpu.dma_semaphore, #tpu.memory_space<semaphore_mem>>) src(%arg7 : memref<32x1024xf32, #tpu.memory_space<vmem>>) dst(%dma_wait3A_216 : memref<32x1024xf32, #tpu.memory_space<hbm>>)
    %dma_start3A_217 = arith.constant 0 : i32
    %dma_start3A_218 = tpu.memref_slice %arg2[%add3A_48, %dma_start3A_217] : memref<16384x1024xf32, #tpu.memory_space<hbm>> -> memref<32x1024xf32, #tpu.memory_space<hbm>>
    %dma_start3A_219 = arith.constant 0 : i32
    %dma_start3A_220 = tpu.memref_slice %arg2[%add3A_48, %dma_start3A_219] : memref<16384x1024xf32, #tpu.memory_space<hbm>> -> memref<32x1024xf32, #tpu.memory_space<hbm>>
    tpu.enqueue_dma source(%dma_start3A_220 : memref<32x1024xf32, #tpu.memory_space<hbm>>) target(%arg7 : memref<32x1024xf32, #tpu.memory_space<vmem>>) target_semaphore(%arg11 : memref<!tpu.dma_semaphore, #tpu.memory_space<semaphore_mem>>)
    %dma_wait3A_221 = arith.constant 0 : i32
    %dma_wait3A_222 = tpu.memref_slice %arg2[%add3A_40, %dma_wait3A_221] : memref<16384x1024xf32, #tpu.memory_space<hbm>> -> memref<32x1024xf32, #tpu.memory_space<hbm>>
    %dma_wait3A_223 = arith.constant 0 : i32
    %dma_wait3A_224 = tpu.memref_slice %arg2[%add3A_40, %dma_wait3A_223] : memref<16384x1024xf32, #tpu.memory_space<hbm>> -> memref<32x1024xf32, #tpu.memory_space<hbm>>
    tpu.wait_dma2 semaphore(%arg9 : memref<!tpu.dma_semaphore, #tpu.memory_space<semaphore_mem>>) src(%dma_wait3A_224 : memref<32x1024xf32, #tpu.memory_space<hbm>>) dst(%arg5 : memref<32x1024xf32, #tpu.memory_space<vmem>>)
    %dma_start3A_225 = arith.constant 0 : i32
    %dma_start3A_226 = tpu.memref_slice %arg4[%add3A_42, %dma_start3A_225] : memref<16384x1024xf32, #tpu.memory_space<hbm>> -> memref<32x1024xf32, #tpu.memory_space<hbm>>
    %dma_start3A_227 = arith.constant 0 : i32
    %dma_start3A_228 = tpu.memref_slice %arg4[%add3A_42, %dma_start3A_227] : memref<16384x1024xf32, #tpu.memory_space<hbm>> -> memref<32x1024xf32, #tpu.memory_space<hbm>>
    tpu.enqueue_dma source(%arg5 : memref<32x1024xf32, #tpu.memory_space<vmem>>) target(%dma_start3A_228 : memref<32x1024xf32, #tpu.memory_space<hbm>>) target_semaphore(%arg12 : memref<!tpu.dma_semaphore, #tpu.memory_space<semaphore_mem>>)
    %dma_wait3A_229 = arith.constant 0 : i32
    %dma_wait3A_230 = tpu.memref_slice %arg4[%add3A_42, %dma_wait3A_229] : memref<16384x1024xf32, #tpu.memory_space<hbm>> -> memref<32x1024xf32, #tpu.memory_space<hbm>>
    %dma_wait3A_231 = arith.constant 0 : i32
    %dma_wait3A_232 = tpu.memref_slice %arg4[%add3A_42, %dma_wait3A_231] : memref<16384x1024xf32, #tpu.memory_space<hbm>> -> memref<32x1024xf32, #tpu.memory_space<hbm>>
    tpu.wait_dma2 semaphore(%arg12 : memref<!tpu.dma_semaphore, #tpu.memory_space<semaphore_mem>>) src(%arg5 : memref<32x1024xf32, #tpu.memory_space<vmem>>) dst(%dma_wait3A_232 : memref<32x1024xf32, #tpu.memory_space<hbm>>)
    %dma_start3A_233 = arith.constant 0 : i32
    %dma_start3A_234 = tpu.memref_slice %arg2[%add3A_52, %dma_start3A_233] : memref<16384x1024xf32, #tpu.memory_space<hbm>> -> memref<32x1024xf32, #tpu.memory_space<hbm>>
    %dma_start3A_235 = arith.constant 0 : i32
    %dma_start3A_236 = tpu.memref_slice %arg2[%add3A_52, %dma_start3A_235] : memref<16384x1024xf32, #tpu.memory_space<hbm>> -> memref<32x1024xf32, #tpu.memory_space<hbm>>
    tpu.enqueue_dma source(%dma_start3A_236 : memref<32x1024xf32, #tpu.memory_space<hbm>>) target(%arg5 : memref<32x1024xf32, #tpu.memory_space<vmem>>) target_semaphore(%arg9 : memref<!tpu.dma_semaphore, #tpu.memory_space<semaphore_mem>>)
    %dma_wait3A_237 = arith.constant 0 : i32
    %dma_wait3A_238 = tpu.memref_slice %arg2[%add3A_44, %dma_wait3A_237] : memref<16384x1024xf32, #tpu.memory_space<hbm>> -> memref<32x1024xf32, #tpu.memory_space<hbm>>
    %dma_wait3A_239 = arith.constant 0 : i32
    %dma_wait3A_240 = tpu.memref_slice %arg2[%add3A_44, %dma_wait3A_239] : memref<16384x1024xf32, #tpu.memory_space<hbm>> -> memref<32x1024xf32, #tpu.memory_space<hbm>>
    tpu.wait_dma2 semaphore(%arg10 : memref<!tpu.dma_semaphore, #tpu.memory_space<semaphore_mem>>) src(%dma_wait3A_240 : memref<32x1024xf32, #tpu.memory_space<hbm>>) dst(%arg6 : memref<32x1024xf32, #tpu.memory_space<vmem>>)
    %dma_start3A_241 = arith.constant 0 : i32
    %dma_start3A_242 = tpu.memref_slice %arg4[%add3A_46, %dma_start3A_241] : memref<16384x1024xf32, #tpu.memory_space<hbm>> -> memref<32x1024xf32, #tpu.memory_space<hbm>>
    %dma_start3A_243 = arith.constant 0 : i32
    %dma_start3A_244 = tpu.memref_slice %arg4[%add3A_46, %dma_start3A_243] : memref<16384x1024xf32, #tpu.memory_space<hbm>> -> memref<32x1024xf32, #tpu.memory_space<hbm>>
    tpu.enqueue_dma source(%arg6 : memref<32x1024xf32, #tpu.memory_space<vmem>>) target(%dma_start3A_244 : memref<32x1024xf32, #tpu.memory_space<hbm>>) target_semaphore(%arg13 : memref<!tpu.dma_semaphore, #tpu.memory_space<semaphore_mem>>)
    %dma_wait3A_245 = arith.constant 0 : i32
    %dma_wait3A_246 = tpu.memref_slice %arg4[%add3A_46, %dma_wait3A_245] : memref<16384x1024xf32, #tpu.memory_space<hbm>> -> memref<32x1024xf32, #tpu.memory_space<hbm>>
    %dma_wait3A_247 = arith.constant 0 : i32
    %dma_wait3A_248 = tpu.memref_slice %arg4[%add3A_46, %dma_wait3A_247] : memref<16384x1024xf32, #tpu.memory_space<hbm>> -> memref<32x1024xf32, #tpu.memory_space<hbm>>
    tpu.wait_dma2 semaphore(%arg13 : memref<!tpu.dma_semaphore, #tpu.memory_space<semaphore_mem>>) src(%arg6 : memref<32x1024xf32, #tpu.memory_space<vmem>>) dst(%dma_wait3A_248 : memref<32x1024xf32, #tpu.memory_space<hbm>>)
    %dma_start3A_249 = arith.constant 0 : i32
    %dma_start3A_250 = tpu.memref_slice %arg2[%add3A_56, %dma_start3A_249] : memref<16384x1024xf32, #tpu.memory_space<hbm>> -> memref<32x1024xf32, #tpu.memory_space<hbm>>
    %dma_start3A_251 = arith.constant 0 : i32
    %dma_start3A_252 = tpu.memref_slice %arg2[%add3A_56, %dma_start3A_251] : memref<16384x1024xf32, #tpu.memory_space<hbm>> -> memref<32x1024xf32, #tpu.memory_space<hbm>>
    tpu.enqueue_dma source(%dma_start3A_252 : memref<32x1024xf32, #tpu.memory_space<hbm>>) target(%arg6 : memref<32x1024xf32, #tpu.memory_space<vmem>>) target_semaphore(%arg10 : memref<!tpu.dma_semaphore, #tpu.memory_space<semaphore_mem>>)
    %dma_wait3A_253 = arith.constant 0 : i32
    %dma_wait3A_254 = tpu.memref_slice %arg2[%add3A_48, %dma_wait3A_253] : memref<16384x1024xf32, #tpu.memory_space<hbm>> -> memref<32x1024xf32, #tpu.memory_space<hbm>>
    %dma_wait3A_255 = arith.constant 0 : i32
    %dma_wait3A_256 = tpu.memref_slice %arg2[%add3A_48, %dma_wait3A_255] : memref<16384x1024xf32, #tpu.memory_space<hbm>> -> memref<32x1024xf32, #tpu.memory_space<hbm>>
    tpu.wait_dma2 semaphore(%arg11 : memref<!tpu.dma_semaphore, #tpu.memory_space<semaphore_mem>>) src(%dma_wait3A_256 : memref<32x1024xf32, #tpu.memory_space<hbm>>) dst(%arg7 : memref<32x1024xf32, #tpu.memory_space<vmem>>)
    %dma_start3A_257 = arith.constant 0 : i32
    %dma_start3A_258 = tpu.memref_slice %arg4[%add3A_50, %dma_start3A_257] : memref<16384x1024xf32, #tpu.memory_space<hbm>> -> memref<32x1024xf32, #tpu.memory_space<hbm>>
    %dma_start3A_259 = arith.constant 0 : i32
    %dma_start3A_260 = tpu.memref_slice %arg4[%add3A_50, %dma_start3A_259] : memref<16384x1024xf32, #tpu.memory_space<hbm>> -> memref<32x1024xf32, #tpu.memory_space<hbm>>
    tpu.enqueue_dma source(%arg7 : memref<32x1024xf32, #tpu.memory_space<vmem>>) target(%dma_start3A_260 : memref<32x1024xf32, #tpu.memory_space<hbm>>) target_semaphore(%arg14 : memref<!tpu.dma_semaphore, #tpu.memory_space<semaphore_mem>>)
    %dma_wait3A_261 = arith.constant 0 : i32
    %dma_wait3A_262 = tpu.memref_slice %arg4[%add3A_50, %dma_wait3A_261] : memref<16384x1024xf32, #tpu.memory_space<hbm>> -> memref<32x1024xf32, #tpu.memory_space<hbm>>
    %dma_wait3A_263 = arith.constant 0 : i32
    %dma_wait3A_264 = tpu.memref_slice %arg4[%add3A_50, %dma_wait3A_263] : memref<16384x1024xf32, #tpu.memory_space<hbm>> -> memref<32x1024xf32, #tpu.memory_space<hbm>>
    tpu.wait_dma2 semaphore(%arg14 : memref<!tpu.dma_semaphore, #tpu.memory_space<semaphore_mem>>) src(%arg7 : memref<32x1024xf32, #tpu.memory_space<vmem>>) dst(%dma_wait3A_264 : memref<32x1024xf32, #tpu.memory_space<hbm>>)
    %dma_start3A_265 = arith.constant 0 : i32
    %dma_start3A_266 = tpu.memref_slice %arg2[%add3A_60, %dma_start3A_265] : memref<16384x1024xf32, #tpu.memory_space<hbm>> -> memref<32x1024xf32, #tpu.memory_space<hbm>>
    %dma_start3A_267 = arith.constant 0 : i32
    %dma_start3A_268 = tpu.memref_slice %arg2[%add3A_60, %dma_start3A_267] : memref<16384x1024xf32, #tpu.memory_space<hbm>> -> memref<32x1024xf32, #tpu.memory_space<hbm>>
    tpu.enqueue_dma source(%dma_start3A_268 : memref<32x1024xf32, #tpu.memory_space<hbm>>) target(%arg7 : memref<32x1024xf32, #tpu.memory_space<vmem>>) target_semaphore(%arg11 : memref<!tpu.dma_semaphore, #tpu.memory_space<semaphore_mem>>)
    %dma_wait3A_269 = arith.constant 0 : i32
    %dma_wait3A_270 = tpu.memref_slice %arg2[%add3A_52, %dma_wait3A_269] : memref<16384x1024xf32, #tpu.memory_space<hbm>> -> memref<32x1024xf32, #tpu.memory_space<hbm>>
    %dma_wait3A_271 = arith.constant 0 : i32
    %dma_wait3A_272 = tpu.memref_slice %arg2[%add3A_52, %dma_wait3A_271] : memref<16384x1024xf32, #tpu.memory_space<hbm>> -> memref<32x1024xf32, #tpu.memory_space<hbm>>
    tpu.wait_dma2 semaphore(%arg9 : memref<!tpu.dma_semaphore, #tpu.memory_space<semaphore_mem>>) src(%dma_wait3A_272 : memref<32x1024xf32, #tpu.memory_space<hbm>>) dst(%arg5 : memref<32x1024xf32, #tpu.memory_space<vmem>>)
    %dma_start3A_273 = arith.constant 0 : i32
    %dma_start3A_274 = tpu.memref_slice %arg4[%add3A_54, %dma_start3A_273] : memref<16384x1024xf32, #tpu.memory_space<hbm>> -> memref<32x1024xf32, #tpu.memory_space<hbm>>
    %dma_start3A_275 = arith.constant 0 : i32
    %dma_start3A_276 = tpu.memref_slice %arg4[%add3A_54, %dma_start3A_275] : memref<16384x1024xf32, #tpu.memory_space<hbm>> -> memref<32x1024xf32, #tpu.memory_space<hbm>>
    tpu.enqueue_dma source(%arg5 : memref<32x1024xf32, #tpu.memory_space<vmem>>) target(%dma_start3A_276 : memref<32x1024xf32, #tpu.memory_space<hbm>>) target_semaphore(%arg12 : memref<!tpu.dma_semaphore, #tpu.memory_space<semaphore_mem>>)
    %dma_wait3A_277 = arith.constant 0 : i32
    %dma_wait3A_278 = tpu.memref_slice %arg4[%add3A_54, %dma_wait3A_277] : memref<16384x1024xf32, #tpu.memory_space<hbm>> -> memref<32x1024xf32, #tpu.memory_space<hbm>>
    %dma_wait3A_279 = arith.constant 0 : i32
    %dma_wait3A_280 = tpu.memref_slice %arg4[%add3A_54, %dma_wait3A_279] : memref<16384x1024xf32, #tpu.memory_space<hbm>> -> memref<32x1024xf32, #tpu.memory_space<hbm>>
    tpu.wait_dma2 semaphore(%arg12 : memref<!tpu.dma_semaphore, #tpu.memory_space<semaphore_mem>>) src(%arg5 : memref<32x1024xf32, #tpu.memory_space<vmem>>) dst(%dma_wait3A_280 : memref<32x1024xf32, #tpu.memory_space<hbm>>)
    %dma_start3A_281 = arith.constant 0 : i32
    %dma_start3A_282 = tpu.memref_slice %arg2[%add3A_64, %dma_start3A_281] : memref<16384x1024xf32, #tpu.memory_space<hbm>> -> memref<32x1024xf32, #tpu.memory_space<hbm>>
    %dma_start3A_283 = arith.constant 0 : i32
    %dma_start3A_284 = tpu.memref_slice %arg2[%add3A_64, %dma_start3A_283] : memref<16384x1024xf32, #tpu.memory_space<hbm>> -> memref<32x1024xf32, #tpu.memory_space<hbm>>
    tpu.enqueue_dma source(%dma_start3A_284 : memref<32x1024xf32, #tpu.memory_space<hbm>>) target(%arg5 : memref<32x1024xf32, #tpu.memory_space<vmem>>) target_semaphore(%arg9 : memref<!tpu.dma_semaphore, #tpu.memory_space<semaphore_mem>>)
    %dma_wait3A_285 = arith.constant 0 : i32
    %dma_wait3A_286 = tpu.memref_slice %arg2[%add3A_56, %dma_wait3A_285] : memref<16384x1024xf32, #tpu.memory_space<hbm>> -> memref<32x1024xf32, #tpu.memory_space<hbm>>
    %dma_wait3A_287 = arith.constant 0 : i32
    %dma_wait3A_288 = tpu.memref_slice %arg2[%add3A_56, %dma_wait3A_287] : memref<16384x1024xf32, #tpu.memory_space<hbm>> -> memref<32x1024xf32, #tpu.memory_space<hbm>>
    tpu.wait_dma2 semaphore(%arg10 : memref<!tpu.dma_semaphore, #tpu.memory_space<semaphore_mem>>) src(%dma_wait3A_288 : memref<32x1024xf32, #tpu.memory_space<hbm>>) dst(%arg6 : memref<32x1024xf32, #tpu.memory_space<vmem>>)
    %dma_start3A_289 = arith.constant 0 : i32
    %dma_start3A_290 = tpu.memref_slice %arg4[%add3A_58, %dma_start3A_289] : memref<16384x1024xf32, #tpu.memory_space<hbm>> -> memref<32x1024xf32, #tpu.memory_space<hbm>>
    %dma_start3A_291 = arith.constant 0 : i32
    %dma_start3A_292 = tpu.memref_slice %arg4[%add3A_58, %dma_start3A_291] : memref<16384x1024xf32, #tpu.memory_space<hbm>> -> memref<32x1024xf32, #tpu.memory_space<hbm>>
    tpu.enqueue_dma source(%arg6 : memref<32x1024xf32, #tpu.memory_space<vmem>>) target(%dma_start3A_292 : memref<32x1024xf32, #tpu.memory_space<hbm>>) target_semaphore(%arg13 : memref<!tpu.dma_semaphore, #tpu.memory_space<semaphore_mem>>)
    %dma_wait3A_293 = arith.constant 0 : i32
    %dma_wait3A_294 = tpu.memref_slice %arg2[%add3A_60, %dma_wait3A_293] : memref<16384x1024xf32, #tpu.memory_space<hbm>> -> memref<32x1024xf32, #tpu.memory_space<hbm>>
    %dma_wait3A_295 = arith.constant 0 : i32
    %dma_wait3A_296 = tpu.memref_slice %arg2[%add3A_60, %dma_wait3A_295] : memref<16384x1024xf32, #tpu.memory_space<hbm>> -> memref<32x1024xf32, #tpu.memory_space<hbm>>
    tpu.wait_dma2 semaphore(%arg11 : memref<!tpu.dma_semaphore, #tpu.memory_space<semaphore_mem>>) src(%dma_wait3A_296 : memref<32x1024xf32, #tpu.memory_space<hbm>>) dst(%arg7 : memref<32x1024xf32, #tpu.memory_space<vmem>>)
    %dma_start3A_297 = arith.constant 0 : i32
    %dma_start3A_298 = tpu.memref_slice %arg4[%add3A_62, %dma_start3A_297] : memref<16384x1024xf32, #tpu.memory_space<hbm>> -> memref<32x1024xf32, #tpu.memory_space<hbm>>
    %dma_start3A_299 = arith.constant 0 : i32
    %dma_start3A_300 = tpu.memref_slice %arg4[%add3A_62, %dma_start3A_299] : memref<16384x1024xf32, #tpu.memory_space<hbm>> -> memref<32x1024xf32, #tpu.memory_space<hbm>>
    tpu.enqueue_dma source(%arg7 : memref<32x1024xf32, #tpu.memory_space<vmem>>) target(%dma_start3A_300 : memref<32x1024xf32, #tpu.memory_space<hbm>>) target_semaphore(%arg14 : memref<!tpu.dma_semaphore, #tpu.memory_space<semaphore_mem>>)
    %dma_wait3A_301 = arith.constant 0 : i32
    %dma_wait3A_302 = tpu.memref_slice %arg2[%add3A_64, %dma_wait3A_301] : memref<16384x1024xf32, #tpu.memory_space<hbm>> -> memref<32x1024xf32, #tpu.memory_space<hbm>>
    %dma_wait3A_303 = arith.constant 0 : i32
    %dma_wait3A_304 = tpu.memref_slice %arg2[%add3A_64, %dma_wait3A_303] : memref<16384x1024xf32, #tpu.memory_space<hbm>> -> memref<32x1024xf32, #tpu.memory_space<hbm>>
    tpu.wait_dma2 semaphore(%arg9 : memref<!tpu.dma_semaphore, #tpu.memory_space<semaphore_mem>>) src(%dma_wait3A_304 : memref<32x1024xf32, #tpu.memory_space<hbm>>) dst(%arg5 : memref<32x1024xf32, #tpu.memory_space<vmem>>)
    %dma_start3A_305 = arith.constant 0 : i32
    %dma_start3A_306 = tpu.memref_slice %arg4[%add3A_66, %dma_start3A_305] : memref<16384x1024xf32, #tpu.memory_space<hbm>> -> memref<32x1024xf32, #tpu.memory_space<hbm>>
    %dma_start3A_307 = arith.constant 0 : i32
    %dma_start3A_308 = tpu.memref_slice %arg4[%add3A_66, %dma_start3A_307] : memref<16384x1024xf32, #tpu.memory_space<hbm>> -> memref<32x1024xf32, #tpu.memory_space<hbm>>
    tpu.enqueue_dma source(%arg5 : memref<32x1024xf32, #tpu.memory_space<vmem>>) target(%dma_start3A_308 : memref<32x1024xf32, #tpu.memory_space<hbm>>) target_semaphore(%arg12 : memref<!tpu.dma_semaphore, #tpu.memory_space<semaphore_mem>>)
    %dma_wait3A_309 = arith.constant 0 : i32
    %dma_wait3A_310 = tpu.memref_slice %arg4[%add3A_58, %dma_wait3A_309] : memref<16384x1024xf32, #tpu.memory_space<hbm>> -> memref<32x1024xf32, #tpu.memory_space<hbm>>
    %dma_wait3A_311 = arith.constant 0 : i32
    %dma_wait3A_312 = tpu.memref_slice %arg4[%add3A_58, %dma_wait3A_311] : memref<16384x1024xf32, #tpu.memory_space<hbm>> -> memref<32x1024xf32, #tpu.memory_space<hbm>>
    tpu.wait_dma2 semaphore(%arg13 : memref<!tpu.dma_semaphore, #tpu.memory_space<semaphore_mem>>) src(%arg6 : memref<32x1024xf32, #tpu.memory_space<vmem>>) dst(%dma_wait3A_312 : memref<32x1024xf32, #tpu.memory_space<hbm>>)
    %dma_wait3A_313 = arith.constant 0 : i32
    %dma_wait3A_314 = tpu.memref_slice %arg4[%add3A_62, %dma_wait3A_313] : memref<16384x1024xf32, #tpu.memory_space<hbm>> -> memref<32x1024xf32, #tpu.memory_space<hbm>>
    %dma_wait3A_315 = arith.constant 0 : i32
    %dma_wait3A_316 = tpu.memref_slice %arg4[%add3A_62, %dma_wait3A_315] : memref<16384x1024xf32, #tpu.memory_space<hbm>> -> memref<32x1024xf32, #tpu.memory_space<hbm>>
    tpu.wait_dma2 semaphore(%arg14 : memref<!tpu.dma_semaphore, #tpu.memory_space<semaphore_mem>>) src(%arg7 : memref<32x1024xf32, #tpu.memory_space<vmem>>) dst(%dma_wait3A_316 : memref<32x1024xf32, #tpu.memory_space<hbm>>)
    %dma_wait3A_317 = arith.constant 0 : i32
    %dma_wait3A_318 = tpu.memref_slice %arg4[%add3A_66, %dma_wait3A_317] : memref<16384x1024xf32, #tpu.memory_space<hbm>> -> memref<32x1024xf32, #tpu.memory_space<hbm>>
    %dma_wait3A_319 = arith.constant 0 : i32
    %dma_wait3A_320 = tpu.memref_slice %arg4[%add3A_66, %dma_wait3A_319] : memref<16384x1024xf32, #tpu.memory_space<hbm>> -> memref<32x1024xf32, #tpu.memory_space<hbm>>
    tpu.wait_dma2 semaphore(%arg12 : memref<!tpu.dma_semaphore, #tpu.memory_space<semaphore_mem>>) src(%arg5 : memref<32x1024xf32, #tpu.memory_space<vmem>>) dst(%dma_wait3A_320 : memref<32x1024xf32, #tpu.memory_space<hbm>>)
    %eq3A = arith.constant 0 : i32
    %eq3A_321 = arith.cmpi eq, %add3A, %eq3A : i32
    %convert_element_type3A = arith.extui %eq3A_321 : i1 to i32
    %cond3A = arith.constant 0 : i32
    %cond3A_322 = arith.cmpi ne, %convert_element_type3A, %cond3A : i32
    scf.if %cond3A_322 {
      "tpu.region"() ({
        %run_scoped3A = tpu.sem_alloc : memref<!tpu.dma_semaphore, #tpu.memory_space<semaphore_mem>>
        tpu.enqueue_dma source(%arg3 : memref<8x128xf32, #tpu.memory_space<hbm>>) target(%arg8 : memref<8x128xf32, #tpu.memory_space<vmem>>) target_semaphore(%run_scoped3A : memref<!tpu.dma_semaphore, #tpu.memory_space<semaphore_mem>>)
        tpu.wait_dma2 semaphore(%run_scoped3A : memref<!tpu.dma_semaphore, #tpu.memory_space<semaphore_mem>>) src(%arg3 : memref<8x128xf32, #tpu.memory_space<hbm>>) dst(%arg8 : memref<8x128xf32, #tpu.memory_space<vmem>>)
        tpu.yield
      }) : () -> ()
      "tpu.region"() ({
        %run_scoped3A = tpu.sem_alloc : memref<!tpu.dma_semaphore, #tpu.memory_space<semaphore_mem>>
        %dma_start3A_323 = arith.constant 0 : i32
        %dma_start3A_324 = arith.constant 0 : i32
        %dma_start3A_325 = tpu.memref_slice %arg4[%dma_start3A_323, %dma_start3A_324] : memref<16384x1024xf32, #tpu.memory_space<hbm>> -> memref<8x128xf32, #tpu.memory_space<hbm>>
        %dma_start3A_326 = arith.constant 0 : i32
        %dma_start3A_327 = arith.constant 0 : i32
        %dma_start3A_328 = tpu.memref_slice %arg4[%dma_start3A_326, %dma_start3A_327] : memref<16384x1024xf32, #tpu.memory_space<hbm>> -> memref<8x128xf32, #tpu.memory_space<hbm>>
        tpu.enqueue_dma source(%arg8 : memref<8x128xf32, #tpu.memory_space<vmem>>) target(%dma_start3A_328 : memref<8x128xf32, #tpu.memory_space<hbm>>) target_semaphore(%run_scoped3A : memref<!tpu.dma_semaphore, #tpu.memory_space<semaphore_mem>>)
        %dma_wait3A_329 = arith.constant 0 : i32
        %dma_wait3A_330 = arith.constant 0 : i32
        %dma_wait3A_331 = tpu.memref_slice %arg4[%dma_wait3A_329, %dma_wait3A_330] : memref<16384x1024xf32, #tpu.memory_space<hbm>> -> memref<8x128xf32, #tpu.memory_space<hbm>>
        %dma_wait3A_332 = arith.constant 0 : i32
        %dma_wait3A_333 = arith.constant 0 : i32
        %dma_wait3A_334 = tpu.memref_slice %arg4[%dma_wait3A_332, %dma_wait3A_333] : memref<16384x1024xf32, #tpu.memory_space<hbm>> -> memref<8x128xf32, #tpu.memory_space<hbm>>
        tpu.wait_dma2 semaphore(%run_scoped3A : memref<!tpu.dma_semaphore, #tpu.memory_space<semaphore_mem>>) src(%arg8 : memref<8x128xf32, #tpu.memory_space<vmem>>) dst(%dma_wait3A_334 : memref<8x128xf32, #tpu.memory_space<hbm>>)
        tpu.yield
      }) : () -> ()
    } else {
    }
    return
  }
}

module attributes {stable_mosaic.version = 14 : i64} {
  func.func @_x_body(%arg0: i32, %arg1: memref<2x256xf32, #tpu.memory_space<vmem>>, %arg2: memref<8192x256xf32, #tpu.memory_space<vmem>>, %arg3: memref<8192x256xf32, #tpu.memory_space<vmem>>) attributes {dimension_semantics = [#tpu.dimension_semantics<arbitrary>], iteration_bounds = array<i64: 32>, scalar_prefetch = 0 : i64, scratch_operands = 0 : i64, tpu.core_type = #tpu.core_type<tc>, window_params = [{pipeline_mode = #tpu.pipeline_mode<synchronous>, transform_indices = @transform_0, window_bounds = array<i64: 2, 256>}, {transform_indices = @transform_1, window_bounds = array<i64: 8192, 256>}, {transform_indices = @transform_2, window_bounds = array<i64: 8192, 256>}]} {
    %get3A = arith.constant 0 : index
    %get3A_0 = arith.constant 0 : index
    %get3A_1 = vector.load %arg2[%get3A, %get3A_0] : memref<8192x256xf32, #tpu.memory_space<vmem>>, vector<8192x256xf32>
    %swap3A = arith.constant 0 : index
    %swap3A_2 = arith.constant 0 : index
    %swap3A_3 = vector.load %arg3[%swap3A, %swap3A_2] : memref<8192x256xf32, #tpu.memory_space<vmem>>, vector<8192x256xf32>
    tpu.vector_store %arg3[%swap3A, %swap3A_2], %get3A_1 {strides = array<i32>} : memref<8192x256xf32, #tpu.memory_space<vmem>>, vector<8192x256xf32>,
    %eq3A = arith.constant 0 : i32
    %eq3A_4 = arith.cmpi eq, %arg0, %eq3A : i32
    %convert_element_type3A = arith.extui %eq3A_4 : i1 to i32
    %cond3A = arith.constant 0 : i32
    %cond3A_5 = arith.cmpi ne, %convert_element_type3A, %cond3A : i32
    scf.if %cond3A_5 {
      %iota3A = tpu.iota {dimensions = array<i32: 0>} : vector<16x256xi32>
      %get3A_6 = arith.constant 0 : index
      %get3A_7 = arith.constant 0 : index
      %get3A_8 = vector.load %arg2[%get3A_6, %get3A_7] : memref<8192x256xf32, #tpu.memory_space<vmem>>, vector<16x256xf32>
      %eq3A_9 = arith.constant 10 : i32
      %eq3A_10 = vector.broadcast %eq3A_9 : i32 to vector<16x256xi32>
      %eq3A_11 = arith.cmpi eq, %iota3A, %eq3A_10 : vector<16x256xi32>
      %get3A_12 = arith.constant 0 : index
      %get3A_13 = arith.constant 0 : index
      %get3A_14 = vector.load %arg1[%get3A_12, %get3A_13] : memref<2x256xf32, #tpu.memory_space<vmem>>, vector<1x256xf32>
      %get3A_15 = vector.shape_cast %get3A_14 : vector<1x256xf32> to vector<256xf32>
      %broadcast_in_dim3A = vector.shape_cast %get3A_15 : vector<256xf32> to vector<1x256xf32>
      %broadcast_in_dim3A_16 = vector.shape_cast %broadcast_in_dim3A : vector<1x256xf32> to vector<1x256xf32>
      %broadcast_in_dim3A_17 = vector.broadcast %broadcast_in_dim3A_16 : vector<1x256xf32> to vector<16x256xf32>
      %select_n3A = arith.select %eq3A_11, %broadcast_in_dim3A_17, %get3A_8 : vector<16x256xi1>, vector<16x256xf32>
      %eq3A_18 = arith.constant 2 : i32
      %eq3A_19 = vector.broadcast %eq3A_18 : i32 to vector<16x256xi32>
      %eq3A_20 = arith.cmpi eq, %iota3A, %eq3A_19 : vector<16x256xi32>
      %get3A_21 = arith.constant 1 : index
      %get3A_22 = arith.constant 0 : index
      %get3A_23 = vector.load %arg1[%get3A_21, %get3A_22] : memref<2x256xf32, #tpu.memory_space<vmem>>, vector<1x256xf32>
      %get3A_24 = vector.shape_cast %get3A_23 : vector<1x256xf32> to vector<256xf32>
      %broadcast_in_dim3A_25 = vector.shape_cast %get3A_24 : vector<256xf32> to vector<1x256xf32>
      %broadcast_in_dim3A_26 = vector.shape_cast %broadcast_in_dim3A_25 : vector<1x256xf32> to vector<1x256xf32>
      %broadcast_in_dim3A_27 = vector.broadcast %broadcast_in_dim3A_26 : vector<1x256xf32> to vector<16x256xf32>
      %select_n3A_28 = arith.select %eq3A_20, %broadcast_in_dim3A_27, %select_n3A : vector<16x256xi1>, vector<16x256xf32>
      %eq3A_29 = arith.constant 1 : i32
      %eq3A_30 = vector.broadcast %eq3A_29 : i32 to vector<16x256xi32>
      %eq3A_31 = arith.cmpi eq, %iota3A, %eq3A_30 : vector<16x256xi32>
      %jit3A = arith.constant 4.500000e+01 : f32
      %broadcast_in_dim3A_32 = vector.broadcast %jit3A : f32 to vector<16x256xf32>
      %select_n3A_33 = arith.select %eq3A_31, %broadcast_in_dim3A_32, %select_n3A_28 : vector<16x256xi1>, vector<16x256xf32>
      %swap3A_34 = arith.constant 0 : index
      %swap3A_35 = arith.constant 0 : index
      %swap3A_36 = vector.load %arg3[%swap3A_34, %swap3A_35] : memref<8192x256xf32, #tpu.memory_space<vmem>>, vector<16x256xf32>
      tpu.vector_store %arg3[%swap3A_34, %swap3A_35], %select_n3A_33 {strides = array<i32>} : memref<8192x256xf32, #tpu.memory_space<vmem>>, vector<16x256xf32>,
    } else {
    }
    return
  }
  func.func @transform_0(%arg0: i32) -> (i32, i32) {
    %c0_i32 = arith.constant 0 : i32
    %c0_i32_0 = arith.constant 0 : i32
    %c0_i32_1 = arith.constant 0 : i32
    return %c0_i32, %c0_i32_0 : i32, i32
  }
  func.func @transform_1(%arg0: i32) -> (i32, i32) {
    %c0_i32 = arith.constant 0 : i32
    %c0_i32_0 = arith.constant 0 : i32
    return %arg0, %c0_i32 : i32, i32
  }
  func.func @transform_2(%arg0: i32) -> (i32, i32) {
    %c0_i32 = arith.constant 0 : i32
    %c0_i32_0 = arith.constant 0 : i32
    return %arg0, %c0_i32 : i32, i32
  }
}

module attributes {stable_mosaic.version = 14 : i64} {
  func.func @_head_body(%arg0: memref<3xf32, #tpu.memory_space<smem>>, %arg1: memref<8x128xf32, #tpu.memory_space<vmem>>, %arg2: memref<8x128xf32, #tpu.memory_space<vmem>>) attributes {dimension_semantics = [], scalar_prefetch = 0 : i64, scratch_operands = 0 : i64, tpu.core_type = #tpu.core_type<tc>} {
    %iota3A = tpu.iota {dimensions = array<i32: 0>} : vector<8x128xi32>
    %iota3A_0 = tpu.iota {dimensions = array<i32: 1>} : vector<8x128xi32>
    %get3A = arith.constant 0 : index
    %get3A_1 = memref.load %arg0[%get3A] : memref<3xf32, #tpu.memory_space<smem>>
    %eq3A = arith.constant 1 : i32
    %eq3A_2 = vector.broadcast %eq3A : i32 to vector<8x128xi32>
    %eq3A_3 = arith.cmpi eq, %iota3A, %eq3A_2 : vector<8x128xi32>
    %eq3A_4 = arith.constant 3 : i32
    %eq3A_5 = vector.broadcast %eq3A_4 : i32 to vector<8x128xi32>
    %eq3A_6 = arith.cmpi eq, %iota3A_0, %eq3A_5 : vector<8x128xi32>
    %and3A = arith.andi %eq3A_3, %eq3A_6 : vector<8x128xi1>
    %convert_element_type3A = arith.extui %and3A : vector<8x128xi1> to vector<8x128xi32>
    %convert_element_type3A_7 = arith.sitofp %convert_element_type3A : vector<8x128xi32> to vector<8x128xf32>
    %mul3A = vector.broadcast %get3A_1 : f32 to vector<8x128xf32>
    %mul3A_8 = arith.mulf %mul3A, %convert_element_type3A_7 : vector<8x128xf32>
    %get3A_9 = arith.constant 1 : index
    %get3A_10 = memref.load %arg0[%get3A_9] : memref<3xf32, #tpu.memory_space<smem>>
    %eq3A_11 = arith.constant 0 : i32
    %eq3A_12 = vector.broadcast %eq3A_11 : i32 to vector<8x128xi32>
    %eq3A_13 = arith.cmpi eq, %iota3A, %eq3A_12 : vector<8x128xi32>
    %eq3A_14 = arith.constant 2 : i32
    %eq3A_15 = vector.broadcast %eq3A_14 : i32 to vector<8x128xi32>
    %eq3A_16 = arith.cmpi eq, %iota3A_0, %eq3A_15 : vector<8x128xi32>
    %and3A_17 = arith.andi %eq3A_13, %eq3A_16 : vector<8x128xi1>
    %convert_element_type3A_18 = arith.extui %and3A_17 : vector<8x128xi1> to vector<8x128xi32>
    %convert_element_type3A_19 = arith.sitofp %convert_element_type3A_18 : vector<8x128xi32> to vector<8x128xf32>
    %mul3A_20 = vector.broadcast %get3A_10 : f32 to vector<8x128xf32>
    %mul3A_21 = arith.mulf %mul3A_20, %convert_element_type3A_19 : vector<8x128xf32>
    %add3A = arith.addf %mul3A_8, %mul3A_21 : vector<8x128xf32>
    %get3A_22 = arith.constant 2 : index
    %get3A_23 = memref.load %arg0[%get3A_22] : memref<3xf32, #tpu.memory_space<smem>>
    %eq3A_24 = arith.constant 0 : i32
    %eq3A_25 = vector.broadcast %eq3A_24 : i32 to vector<8x128xi32>
    %eq3A_26 = arith.cmpi eq, %iota3A, %eq3A_25 : vector<8x128xi32>
    %eq3A_27 = arith.constant 1 : i32
    %eq3A_28 = vector.broadcast %eq3A_27 : i32 to vector<8x128xi32>
    %eq3A_29 = arith.cmpi eq, %iota3A_0, %eq3A_28 : vector<8x128xi32>
    %and3A_30 = arith.andi %eq3A_26, %eq3A_29 : vector<8x128xi1>
    %convert_element_type3A_31 = arith.extui %and3A_30 : vector<8x128xi1> to vector<8x128xi32>
    %convert_element_type3A_32 = arith.sitofp %convert_element_type3A_31 : vector<8x128xi32> to vector<8x128xf32>
    %mul3A_33 = vector.broadcast %get3A_23 : f32 to vector<8x128xf32>
    %mul3A_34 = arith.mulf %mul3A_33, %convert_element_type3A_32 : vector<8x128xf32>
    %add3A_35 = arith.addf %add3A, %mul3A_34 : vector<8x128xf32>
    %get3A_36 = arith.constant 0 : index
    %get3A_37 = arith.constant 0 : index
    %get3A_38 = vector.load %arg1[%get3A_36, %get3A_37] : memref<8x128xf32, #tpu.memory_space<vmem>>, vector<8x128xf32>
    %add3A_39 = arith.addf %get3A_38, %add3A_35 : vector<8x128xf32>
    %swap3A = arith.constant 0 : index
    %swap3A_40 = arith.constant 0 : index
    %swap3A_41 = vector.load %arg2[%swap3A, %swap3A_40] : memref<8x128xf32, #tpu.memory_space<vmem>>, vector<8x128xf32>
    tpu.vector_store %arg2[%swap3A, %swap3A_40], %add3A_39 {strides = array<i32>} : memref<8x128xf32, #tpu.memory_space<vmem>>, vector<8x128xf32>,
    return
  }
}

</mosaic_0001>

<sc_bundles>
// kernel: kernel.5.cloned.1.call-start
scs
__scs_entry_jumppad:
0x0: {  	(pc) =	sbr.rel $0x88, $3  }
0x1: {  	(tag) =	ssettag $0x0;
	lr =	simm.s32 $0x1  }
0x2: {  	[smem:$0x3F9D] =	sst lr;
	_ =	strace $0xD0000000  }
0x3: {  	_ = 	snop  }
0x4: {  	_ = 	snop  }
0x5: {  	_ = 	snop  }
0x6: {  	_ = 	snop  }
0x7: {  	_ = 	snop  }
__scs_overlays_trampoline_lowered:
0x8: {  	[smem:$0x3FAC] =	sst s0  }
0x9: {  	[smem:$0x3FAD] =	sst s1  }
0xa: {  	[smem:$0x3FAE] =	sst s2  }
0xb: {  	[smem:$0x3FAF] =	sst s3  }
0xc: {  	[smem:$0x3FB0] =	sst s4  }
0xd: {  	[smem:$0x3FB1] =	sst s5  }
0xe: {  	[smem:$0x3FB2] =	sst s6  }
0xf: {  	[smem:$0x3FB3] =	sst s7  }
0x10: {  	[smem:$0x3FB4] =	sst s8  }
0x11: {  	[smem:$0x3FB5] =	sst s9;
	s0 =	simm.s32 @!p0 $0x0  }
0x12: {  	s1 =	sld [smem:$0x3F9B];
	s0 =	simm.s32 @p0 $0x1  }
0x13: {  	[smem:$0x3FB6] =	sst s0;
	s0 =	simm.s32 @!p1 $0x0  }
0x14: {  	s2 =	sld [smem:$0x3F9A];
	s0 =	simm.s32 @p1 $0x1  }
0x15: {  	[smem:$0x3FB7] =	sst s0;
	s0 =	simm.s32 @!p2 $0x0  }
0x16: {  	s3 =	sld [smem:$0x3FDB];
	s0 =	simm.s32 @p2 $0x1  }
0x17: {  	s4 =	simm.s32 $0x1BF5;
	[smem:$0x3FB9] =	sst s0  }
0x18: {  	s0 =	sld [smem:$0x3F9C];
	_ =	swait.ge [sflag:s4], $0x0  }
0x19: {  	s7 =	sld [smem:$0x3F9D]  }
0x1a: {  	s8 =	sadd.s32 $0xFFFFE003, lr  }
0x1b: {  	s9 =	sadd.s32 $0xFFFFFEF7, lr;
	s5 =	simm.s32 $0xFFFFFFFF;
	p2 =	slt.u32 s8, $0xFFFFF086  }
0x1c: {  	p1 =	slt.u32 s9, $0xF7A;
	s5 =	simm.s32 @!p2 $0x0  }
0x1d: {  	s5 =	simm.s32 @p1 $0x1;
	p0 =	seq.s32 s7, s2  }
0x1e: {  	s7 =	smul.u32 @!p0 $0xF7A, s2;
	p2 =	seq.s32 @!p0 s5, $0x0  }
0x1f: {  	s9 =	smul.u32 $0xF7A, s1;
	s8 =	simm.s32 @!p0 $0x1BF5;
	p2 =	por !p2, p0  }
0x20: {  	[sflag:s8] =	ssyncset.s32 @!p0 $0xFFFFF086;
	s6 =	sadd.s32 @!p0 s3, s7;
	s7 =	simm.s32 @!p0 $0x108  }
0x21: {  	s3 =	sadd.s32 s3, s9;
	s6 =	sadd.s32 @!p0 $0x88, s6;
	s7 =	simm.s32 @p2 $0x1082  }
0x22: {  	[simem:s7], [sflag:s8] =	dma.local @!p0 [hbm:s6], $0xF7A  }
0x23: {  	s9 =	sor.u32 $0xD0000000, s2;
	s6 =	simm.s32 $0x108;
	_ =	swait.ge @!p0 [sflag:s8], $0x0  }
0x24: {  	s3 =	sadd.s32 $0x88, s3;
	s6 =	simm.s32 @!p1 $0x1082;
	[sflag:s4] =	ssyncset.s32 $0xFFFFF086  }
0x25: {  	[simem:s6], [sflag:s4] =	dma.local [hbm:s3], $0xF7A  }
0x26: {  	[smem:$0x3F9D] =	sst s1;
	(tag) =	ssettag s2;
	_ =	strace s9  }
0x27: {  	s1 =	sld [smem:$0x3FAD]  }
0x28: {  	s2 =	sld [smem:$0x3FAE]  }
0x29: {  	s4 =	sld [smem:$0x3FB0]  }
0x2a: {  	p0 =	seq.s32 s5, $0x0;
	s5 =	sld [smem:$0x3FB1]  }
0x2b: {  	s6 =	sld [smem:$0x3FB2]  }
0x2c: {  	s7 =	sld [smem:$0x3FB3]  }
0x2d: {  	s3 =	simm.s32 $0x108;
	s8 =	sld [smem:$0x3FB4]  }
0x2e: {  	s3 =	simm.s32 @!p0 $0x1082;
	s9 =	sld [smem:$0x3FB5]  }
0x2f: {  	lr =	sadd.s32 s0, s3;
	s0 =	sld [smem:$0x3FAC]  }
0x30: {  	s3 =	sld [smem:$0x3FAF]  }
0x31: {  	[smem:$0x3FB8] =	sst s10  }
0x32: {  	s10 =	sld [smem:$0x3FB6];
	_ =	sdelay $0x3  }
0x33: {  	p0 =	seq.s32 s10, $0x1;
	s10 =	sld [smem:$0x3FB8];
	_ =	sdelay $0x3  }
0x34: {  	[smem:$0x3FB8] =	sst s10  }
0x35: {  	s10 =	sld [smem:$0x3FB7];
	_ =	sdelay $0x3  }
0x36: {  	p1 =	seq.s32 s10, $0x1;
	s10 =	sld [smem:$0x3FB8];
	_ =	sdelay $0x3  }
0x37: {  	[smem:$0x3FB8] =	sst s10  }
0x38: {  	s10 =	sld [smem:$0x3FB9]  }
0x39: {  	_ = 	snop;
	(pc) =	sbr.ind lr, $3  }
0x3a: {  	_ = 	snop  }
0x3b: {  	_ = 	snop  }
0x3c: {  	p2 =	seq.s32 s10, $0x1;
	s10 =	sld [smem:$0x3FB8]  }
0x3d: {  	_ =	shalt  }
0x3e: {  	_ =	shalt  }
0x3f: {  	_ =	shalt  }
0x40: {  	_ =	shalt  }
0x41: {  	_ =	shalt  }
0x42: {  	_ =	shalt  }
0x43: {  	_ =	shalt  }
0x44: {  	_ =	shalt  }
0x45: {  	_ =	shalt  }
0x46: {  	_ =	shalt  }
0x47: {  	_ =	shalt  }
0x48: {  	_ =	shalt  }
0x49: {  	_ =	shalt  }
0x4a: {  	_ =	shalt  }
0x4b: {  	_ =	shalt  }
0x4c: {  	_ =	shalt  }
0x4d: {  	_ =	shalt  }
0x4e: {  	_ =	shalt  }
0x4f: {  	_ =	shalt  }
0x50: {  	_ =	shalt  }
0x51: {  	_ =	shalt  }
0x52: {  	_ =	shalt  }
0x53: {  	_ =	shalt  }
0x54: {  	_ =	shalt  }
0x55: {  	_ =	shalt  }
0x56: {  	_ =	shalt  }
0x57: {  	_ =	shalt  }
0x58: {  	_ =	shalt  }
0x59: {  	_ =	shalt  }
0x5a: {  	_ =	shalt  }
0x5b: {  	_ =	shalt  }
0x5c: {  	_ =	shalt  }
0x5d: {  	_ =	shalt  }
0x5e: {  	_ =	shalt  }
0x5f: {  	_ =	shalt  }
0x60: {  	_ =	shalt  }
0x61: {  	_ =	shalt  }
0x62: {  	_ =	shalt  }
0x63: {  	_ =	shalt  }
0x64: {  	_ =	shalt  }
0x65: {  	_ =	shalt  }
0x66: {  	_ =	shalt  }
0x67: {  	_ =	shalt  }
0x68: {  	_ =	shalt  }
0x69: {  	_ =	shalt  }
0x6a: {  	_ =	shalt  }
0x6b: {  	_ =	shalt  }
0x6c: {  	_ =	shalt  }
0x6d: {  	_ =	shalt  }
0x6e: {  	_ =	shalt  }
0x6f: {  	_ =	shalt  }
0x70: {  	_ =	shalt  }
0x71: {  	_ =	shalt  }
0x72: {  	_ =	shalt  }
0x73: {  	_ =	shalt  }
0x74: {  	_ =	shalt  }
0x75: {  	_ =	shalt  }
0x76: {  	_ =	shalt  }
0x77: {  	_ =	shalt  }
0x78: {  	_ =	shalt  }
0x79: {  	_ =	shalt  }
0x7a: {  	_ =	shalt  }
0x7b: {  	_ =	shalt  }
0x7c: {  	_ =	shalt  }
0x7d: {  	_ =	shalt  }
0x7e: {  	_ =	shalt  }
0x7f: {  	_ =	shalt  }
0x80: {  	_ =	shalt  }
0x81: {  	_ =	shalt  }
0x82: {  	_ =	shalt  }
0x83: {  	_ =	shalt  }
0x84: {  	_ =	shalt  }
0x85: {  	_ =	shalt  }
0x86: {  	_ =	shalt  }
0x87: {  	_ =	shalt  }
.Lfunc_end0:
.L_simem_size_0:
called_computation_lowered:
.L_overlay_start_0:
0x88: {  	s2 =	sld [smem:$0x3FD9]  }
0x89: {  	s3 =	sld [smem:$0x3FFE];
	_ =	sdelay $0x1  }
0x8a: {  	s1 =	srdreg.scid  }
0x8b: {  	s0 =	sand.u32 $0x1, s1  }
0x8c: {  	s14 =	sshll.u32 s0, $0xA;
	s2 =	sadd.s32 s3, s2  }
0x8d: {  	s2 =	sadd.s32 s2, s14  }
0x8e: {  	[smem:$0x3FC4] =	sst s2  }
0x8f: {  	_ = 	snop  }
0x90: {  	s2 =	sld [smem:$0x3FD0];
	_ =	sdelay $0x2  }
0x91: {  	s4 =	simm.s32 $0xA;
	s5 =	simm.s32 $0x10;
	s15 =	sld [smem:$0x3FC7]  }
0x92: {  	[smem:s5], [sflag:s4] =	dma.local [hbm:s2], $0x1  }
0x93: {  	_ =	swait.eq [sflag:s4], $0x1  }
0x94: {  	[sflag:s4] =	ssyncset.done $0x0  }
0x95: {  	[sflag:s4] =	ssyncadd.s32 $0xFFFFFFFF  }
0x96: {  	s16 =	sld [smem:$0x11];
	(tm) =	ssettm $0x1  }
0x97: {  	s17 =	sld [smem:$0x3FFB];
	_ =	sdelay $0x3  }
0x98: {  	_ =	strace s17  }
0x99: {  	s4 =	sld [smem:$0x3FFC];
	_ =	sdelay $0x3  }
0x9a: {  	_ =	strace s4  }
0x9b: {  	s4 =	sld [smem:$0x3FFD];
	_ =	sdelay $0x3  }
0x9c: {  	_ =	strace s4  }
0x9d: {  	_ =	strace $0x8FFFFFFF  }
0x9e: {  	s18 =	sld [smem:$0x3FDB];
	_ =	sdelay $0x1  }
0x9f: {  	s19 =	simm.s32 $_scs_section_size  }
0xa0: {  	s6 =	simm.s32 $_size__tile_overlayer_lowered;
	s7 =	simm.s32 $_tile_overlayer_lowered  }
0xa1: {  	s22 =	simm.s32 $0x1BFF;
	s21 =	sshll.u32 s7, $0x1;
	s4 =	sadd.s32 s19, s18  }
0xa2: {  	s8 =	simm.s32 $0x0;
	s20 =	sshll.u32 s6, $0x1;
	s6 =	sadd.s32 s21, s4  }
0xa3: {  	[timem:s8], [sflag:s22] =	dma.local [hbm:s6], s20  }
0xa4: {  	_ =	swait.ge [sflag:s22], s20  }
0xa5: {  	s5 =	ssub.s32 $0x0, s20;
	[sflag:s22] =	ssyncset.done $0x0  }
0xa6: {  	[sflag:s22] =	ssyncadd.s32 s5;
	_ =	sdelay $0x1  }
0xa7: {  	s23 =	simm.s32 $0x1B8B  }
0xa8: {  	_ =	swait.ge [sflag:s23], $0x1  }
0xa9: {  	[sflag:s23] =	ssyncset.done $0x0  }
0xaa: {  	s25 =	simm.s32 $0x1B8E;
	s24 =	sld [smem:$0x3FFE];
	[sflag:s23] =	ssyncadd.s32 $0xFFFFFFFF  }
0xab: {  	s26 =	simm.s32 $execute0_lowered;
	[smem:$0x3FD2] =	sst s25  }
0xac: {  	s6 =	sshll.u32 s26, $0x1;
	_ =	strace $0x80000046;
	[dreg:$0x1] =	wrdreg $0xFFFFFFFF  }
0xad: {  	s28 =	simm.s32 $_size_execute0_lowered;
	s4 =	sadd.s32 s4, s6;
	[dreg:$0x0] =	wrdreg $0x0  }
0xae: {  	s6 =	sshll.u32 s28, $0x1;
	[dreg:$0x2] =	wrdreg s4  }
0xaf: {  	[dreg:$0x3] =	wrdreg s6  }
0xb0: {  	[dreg:$0x4] =	wrdreg $0xC0  }
0xb1: {  	_ =	task [dreg:s8], $0x5FFFF  }
0xb2: {  	[dreg:$0x1] =	wrdreg $0xFFFFFFFF  }
0xb3: {  	[dreg:$0x0] =	wrdreg $0x60  }
0xb4: {  	[dreg:$0x2] =	wrdreg s15  }
0xb5: {  	[dreg:$0x3] =	wrdreg s24  }
0xb6: {  	[dreg:$0x4] =	wrdreg s16  }
0xb7: {  	[dreg:$0x5] =	wrdreg $0x9  }
0xb8: {  	_ =	task.clear_ibuf [dreg:s8], $0x6FFFF;
	_ =	strace $0x90000046  }
0xb9: {  	s29 =	simm.s32 $0x9;
	_ =	strace $0x80000048  }
0xba: {  	_ =	swait.ge [sflag:s29], $0x1  }
0xbb: {  	[sflag:s29] =	ssyncadd.s32 $0xFFFFFFFF  }
0xbc: {  	_ =	strace $0x90000048  }
0xbd: {  	_ =	sfence  }
0xbe: {  	s30 =	sld [smem:$0x0];
	_ =	sdelay $0x2  }
0xbf: {  	s31 =	sshll.u32 s1, $0xD;
	s1 =	sshrl.u32 s1, $0x2  }
0xc0: {  	s3 =	sand.u32 $0x4000, s31;
	s1 =	sadd.s32 s1, s30  }
0xc1: {  	s0 =	sor.u32 s3, s0;
	s1 =	sshll.u32 s1, $0x11  }
0xc2: {  	s0 =	sor.u32 s1, s0  }
0xc3: {  	s0 =	sadd.s32 $0x8F2B, s0  }
0xc4: {  	[sflag:s0] =	ssyncadd.remote.s32 $0x1  }
0xc5: {  	_ =	sfence.sel $0xFFFF  }
0xc6: {  	[dreg:$0x0] =	wrdreg $0xFFFFFFFF;
	(pc) =	sbr.abs _section_cstart, $3  }
0xc7: {  	[dreg:$0x1] =	wrdreg $0xFFFFFFFF  }
0xc8: {  	_ =	task.clear_ibuf [dreg:s8], $0x2FFFF;
	_ =	strace $0x9FFFFFFF  }
0xc9: {  	(tm) =	ssettm $0x7FFFFFFF  }
tec
execute0_lowered:
.L_overlay_start_1:
0x0: {  	(tag) =	ssettag $0x1  }
0x1: {  	s0 =	rddreg [dreg:$0x0]  }
0x2: {  	s1 =	rddreg [dreg:$0x1]  }
0x3: {  	s2 =	rddreg [dreg:$0x2]  }
0x4: {  	s4 =	srdreg.scid;
	s30 =	stileid.u32;
	s3 =	simm.s32 $0x0  }
0x5: {  	p1 =	por $0x0, $0x0;
	s6 =	sand.u32 $0x1, s4;
	s8 =	sshll.u32 s30, $0x1  }
0x6: {  	[smem:$0x7FF] =	sst s3;
	s1 =	sadd.s32 $0xA00, s1;
	s4 =	sor.u32 s6, s8  }
0x7: {  	_ =	strace $0x80000047;
	[dreg:$0x4] =	wrdreg s1;
	s6 =	ssub.s32 $0x2, s6  }
0x8: {  	s5 =	sshll.u32 s4, $0x10;
	p0 =	sne.s32 s4, $0x0;
	s4 =	simm.s32 $0x4  }
0x9: {  	s9 =	sadd.s32 s0, s5;
	s7 =	sor.u32 $0x1000, s5;
	s8 =	sor.u32 $0x2000, s5  }
0xa: {  	s12 =	sadd.s32 s2, s5;
	s15 =	sor.u32 $0x4000, s5;
	[dreg:$0x5] =	wrdreg s9  }
0xb: {  	s18 =	sor.u32 $0x5000, s5;
	s10 =	sadd.s32 s0, s7;
	[dreg:$0x8] =	wrdreg s12  }
0xc: {  	s21 =	sor.u32 $0x6000, s5;
	s11 =	sadd.s32 s0, s8;
	[dreg:$0x6] =	wrdreg s10  }
0xd: {  	s24 =	sor.u32 $0x7000, s5;
	s14 =	sadd.s32 s2, s7;
	[dreg:$0x7] =	wrdreg s11  }
0xe: {  	s29 =	sor.u32 $0x8000, s5;
	s16 =	sadd.s32 s0, s15;
	[dreg:$0xa] =	wrdreg s14  }
0xf: {  	s9 =	sor.u32 $0x3000, s5;
	s17 =	sadd.s32 s2, s8;
	[dreg:$0xb] =	wrdreg s16  }
0x10: {  	s19 =	sadd.s32 s0, s18;
	s22 =	sadd.s32 s0, s21;
	[dreg:$0xc] =	wrdreg s17  }
0x11: {  	s23 =	sadd.s32 s2, s15;
	s25 =	sadd.s32 s0, s24;
	[dreg:$0xd] =	wrdreg s19  }
0x12: {  	s26 =	sadd.s32 s2, s18;
	s31 =	sadd.s32 s0, s29;
	[dreg:$0xf] =	wrdreg s22  }
0x13: {  	s12 =	sadd.s32 s2, s24;
	s15 =	sor.u32 $0xC000, s5;
	[dreg:$0x10] =	wrdreg s23  }
0x14: {  	s18 =	sor.u32 $0xE000, s5;
	s13 =	sadd.s32 s0, s9;
	[dreg:$0x11] =	wrdreg s25  }
0x15: {  	s20 =	sadd.s32 s2, s9;
	[dreg:$0x12] =	wrdreg s26;
	s10 =	sshrl.u32 s6, $0x1  }
0x16: {  	[dreg:$0x13] =	wrdreg s31;
	s9 =	sadd.s32 s2, s21;
	s11 =	sor.u32 $0x9000, s5  }
0x17: {  	s25 =	sadd.s32 s2, s29;
	s14 =	sor.u32 $0xB000, s5;
	s22 =	sadd.s32 s0, s15  }
0x18: {  	s17 =	sor.u32 $0xD000, s5;
	s16 =	sadd.s32 s0, s18;
	[dreg:$0x9] =	wrdreg s13  }
0x19: {  	s29 =	sor.u32 $0xF000, s5;
	[dreg:$0xe] =	wrdreg s20;
	s10 =	ssub.s32 s6, s10  }
0x1a: {  	s28 =	sadd.s32 s0, s11;
	s13 =	sor.u32 $0xA000, s5;
	s24 =	sadd.s32 s0, s14  }
0x1b: {  	s20 =	sadd.s32 s0, s17;
	s26 =	sadd.s32 s0, s13;
	s31 =	smax.u32 s10, $0x1  }
0x1c: {  	s21 =	sadd.s32 s2, s13;
	s13 =	sadd.s32 s0, s29;
	s0 =	sadd.s32 $0xFFFFFFFF, s31  }
0x1d: {  	s8 =	simm.s32 $0x1;
	[dreg:$0x15] =	wrdreg s12;
	p2 =	sne.s32 s0, $0x0  }
.Ltmp0:
0x1e: {  	s15 =	sadd.s32 s2, s15;
	s1 =	rddreg [dreg:$0x5];
	(pc) =	sbr.rel @!p2 .LBB2_1-.Ltmp0, $4  }
0x1f: {  	s7 =	sadd.s32 s2, s18;
	s18 =	simm.s32 $0x3;
	[dreg:$0x14] =	wrdreg s9  }
0x20: {  	s23 =	sadd.s32 s2, s11;
	s19 =	sadd.s32 s2, s14;
	s12 =	sadd.s32 s2, s17  }
0x21: {  	s6 =	sadd.s32 s2, s29;
	s14 =	simm.s32 $0x8000;
	s17 =	simm.s32 $0x2  }
0x22: {  	s11 =	simm.s32 $0x5;
	s9 =	simm.s32 $0x6;
	s10 =	simm.s32 $0x10000  }
0x23: {  	[tilespmem:s3], [sflag:$0x1] =	stream.linear.gather [hbm4b:s1+s3], $0x8000, $0x38;
	[tilespmem:$0x18400] =	vst v63  }
0x24: {  	s29 =	rddreg [dreg:$0x6]  }
0x25: {  	[tilespmem:s14], [sflag:$0x2] =	stream.linear.gather [hbm4b:s29+s3], $0x8000, $0x38;
	[tilespmem:$0x18400] =	vst v63  }
0x26: {  	s5 =	rddreg [dreg:$0x7]  }
0x27: {  	[tilespmem:s10], [sflag:$0x3] =	stream.linear.gather [hbm4b:s5+s3], $0x8000, $0x38;
	[tilespmem:$0x18400] =	vst v63  }
0x28: {  	_ =	swait.ge [sflag:s8], $0x8000  }
0x29: {  	[sflag:s8] =	ssyncset.done $0x0  }
0x2a: {  	s5 =	rddreg [dreg:$0x8];
	[sflag:s8] =	ssyncadd.s32 $0xFFFF8000  }
0x2b: {  	[hbm4b:s5+s3] =	stream.linear.scatter [tilespmem:s3], [sflag:$0x4], $0x8000, $0x38;
	[tilespmem:$0x18400] =	vst v63  }
0x2c: {  	_ =	swait.ge [sflag:s4], $0x8000  }
0x2d: {  	[sflag:s4] =	ssyncset.done $0x0  }
0x2e: {  	s5 =	rddreg [dreg:$0x9];
	[sflag:s4] =	ssyncadd.s32 $0xFFFF8000  }
0x2f: {  	[tilespmem:s3], [sflag:$0x1] =	stream.linear.gather [hbm4b:s5+s3], $0x8000, $0x38;
	[tilespmem:$0x18400] =	vst v63  }
0x30: {  	_ =	swait.ge [sflag:s17], $0x8000  }
0x31: {  	[sflag:s17] =	ssyncset.done $0x0  }
0x32: {  	s5 =	rddreg [dreg:$0xa];
	[sflag:s17] =	ssyncadd.s32 $0xFFFF8000  }
0x33: {  	[hbm4b:s5+s3] =	stream.linear.scatter [tilespmem:s14], [sflag:$0x5], $0x8000, $0x38;
	[tilespmem:$0x18400] =	vst v63  }
0x34: {  	_ =	swait.ge [sflag:s11], $0x8000  }
0x35: {  	[sflag:s11] =	ssyncset.done $0x0  }
0x36: {  	s5 =	rddreg [dreg:$0xb];
	[sflag:s11] =	ssyncadd.s32 $0xFFFF8000  }
0x37: {  	[tilespmem:s14], [sflag:$0x2] =	stream.linear.gather [hbm4b:s5+s3], $0x8000, $0x38;
	[tilespmem:$0x18400] =	vst v63  }
0x38: {  	_ =	swait.ge [sflag:s18], $0x8000  }
0x39: {  	[sflag:s18] =	ssyncset.done $0x0  }
0x3a: {  	s5 =	rddreg [dreg:$0xc];
	[sflag:s18] =	ssyncadd.s32 $0xFFFF8000  }
0x3b: {  	[hbm4b:s5+s3] =	stream.linear.scatter [tilespmem:s10], [sflag:$0x6], $0x8000, $0x38;
	[tilespmem:$0x18400] =	vst v63  }
0x3c: {  	_ =	swait.ge [sflag:s9], $0x8000  }
0x3d: {  	[sflag:s9] =	ssyncset.done $0x0  }
0x3e: {  	s5 =	rddreg [dreg:$0xd];
	[sflag:s9] =	ssyncadd.s32 $0xFFFF8000  }
0x3f: {  	[tilespmem:s10], [sflag:$0x3] =	stream.linear.gather [hbm4b:s5+s3], $0x8000, $0x38;
	[tilespmem:$0x18400] =	vst v63  }
0x40: {  	_ =	swait.ge [sflag:s8], $0x8000  }
0x41: {  	[sflag:s8] =	ssyncset.done $0x0  }
0x42: {  	s5 =	rddreg [dreg:$0xe];
	[sflag:s8] =	ssyncadd.s32 $0xFFFF8000  }
0x43: {  	[hbm4b:s5+s3] =	stream.linear.scatter [tilespmem:s3], [sflag:$0x4], $0x8000, $0x38;
	[tilespmem:$0x18400] =	vst v63  }
0x44: {  	_ =	swait.ge [sflag:s4], $0x8000  }
0x45: {  	[sflag:s4] =	ssyncset.done $0x0  }
0x46: {  	s5 =	rddreg [dreg:$0xf];
	[sflag:s4] =	ssyncadd.s32 $0xFFFF8000  }
0x47: {  	[tilespmem:s3], [sflag:$0x1] =	stream.linear.gather [hbm4b:s5+s3], $0x8000, $0x38;
	[tilespmem:$0x18400] =	vst v63  }
0x48: {  	_ =	swait.ge [sflag:s17], $0x8000  }
0x49: {  	[sflag:s17] =	ssyncset.done $0x0  }
0x4a: {  	s5 =	rddreg [dreg:$0x10];
	[sflag:s17] =	ssyncadd.s32 $0xFFFF8000  }
0x4b: {  	[hbm4b:s5+s3] =	stream.linear.scatter [tilespmem:s14], [sflag:$0x5], $0x8000, $0x38;
	[tilespmem:$0x18400] =	vst v63  }
0x4c: {  	_ =	swait.ge [sflag:s11], $0x8000  }
0x4d: {  	[sflag:s11] =	ssyncset.done $0x0  }
0x4e: {  	s5 =	rddreg [dreg:$0x11];
	[sflag:s11] =	ssyncadd.s32 $0xFFFF8000  }
0x4f: {  	[tilespmem:s14], [sflag:$0x2] =	stream.linear.gather [hbm4b:s5+s3], $0x8000, $0x38;
	[tilespmem:$0x18400] =	vst v63  }
0x50: {  	_ =	swait.ge [sflag:s18], $0x8000  }
0x51: {  	[sflag:s18] =	ssyncset.done $0x0  }
0x52: {  	s5 =	rddreg [dreg:$0x12];
	[sflag:s18] =	ssyncadd.s32 $0xFFFF8000  }
0x53: {  	[hbm4b:s5+s3] =	stream.linear.scatter [tilespmem:s10], [sflag:$0x6], $0x8000, $0x38;
	[tilespmem:$0x18400] =	vst v63  }
0x54: {  	_ =	swait.ge [sflag:s9], $0x8000  }
0x55: {  	[sflag:s9] =	ssyncset.done $0x0  }
0x56: {  	s5 =	rddreg [dreg:$0x13];
	[sflag:s9] =	ssyncadd.s32 $0xFFFF8000  }
0x57: {  	[tilespmem:s10], [sflag:$0x3] =	stream.linear.gather [hbm4b:s5+s3], $0x8000, $0x38;
	[tilespmem:$0x18400] =	vst v63  }
0x58: {  	_ =	swait.ge [sflag:s8], $0x8000  }
0x59: {  	[sflag:s8] =	ssyncset.done $0x0  }
0x5a: {  	s5 =	rddreg [dreg:$0x14];
	[sflag:s8] =	ssyncadd.s32 $0xFFFF8000  }
0x5b: {  	[hbm4b:s5+s3] =	stream.linear.scatter [tilespmem:s3], [sflag:$0x4], $0x8000, $0x38;
	[tilespmem:$0x18400] =	vst v63  }
0x5c: {  	_ =	swait.ge [sflag:s4], $0x8000  }
0x5d: {  	[sflag:s4] =	ssyncset.done $0x0  }
0x5e: {  	[sflag:s4] =	ssyncadd.s32 $0xFFFF8000  }
0x5f: {  	[tilespmem:s3], [sflag:$0x1] =	stream.linear.gather [hbm4b:s28+s3], $0x8000, $0x38;
	[tilespmem:$0x18400] =	vst v63  }
0x60: {  	_ =	swait.ge [sflag:s17], $0x8000  }
0x61: {  	[sflag:s17] =	ssyncset.done $0x0  }
0x62: {  	s5 =	rddreg [dreg:$0x15];
	[sflag:s17] =	ssyncadd.s32 $0xFFFF8000  }
0x63: {  	[hbm4b:s5+s3] =	stream.linear.scatter [tilespmem:s14], [sflag:$0x5], $0x8000, $0x38;
	[tilespmem:$0x18400] =	vst v63  }
0x64: {  	_ =	swait.ge [sflag:s11], $0x8000  }
0x65: {  	[sflag:s11] =	ssyncset.done $0x0  }
0x66: {  	[sflag:s11] =	ssyncadd.s32 $0xFFFF8000  }
0x67: {  	[tilespmem:s14], [sflag:$0x2] =	stream.linear.gather [hbm4b:s26+s3], $0x8000, $0x38;
	[tilespmem:$0x18400] =	vst v63  }
0x68: {  	_ =	swait.ge [sflag:s18], $0x8000  }
0x69: {  	[sflag:s18] =	ssyncset.done $0x0  }
0x6a: {  	[sflag:s18] =	ssyncadd.s32 $0xFFFF8000  }
0x6b: {  	[hbm4b:s25+s3] =	stream.linear.scatter [tilespmem:s10], [sflag:$0x6], $0x8000, $0x38;
	[tilespmem:$0x18400] =	vst v63  }
0x6c: {  	_ =	swait.ge [sflag:s9], $0x8000  }
0x6d: {  	[sflag:s9] =	ssyncset.done $0x0  }
0x6e: {  	[sflag:s9] =	ssyncadd.s32 $0xFFFF8000  }
0x6f: {  	[tilespmem:s10], [sflag:$0x3] =	stream.linear.gather [hbm4b:s24+s3], $0x8000, $0x38;
	[tilespmem:$0x18400] =	vst v63  }
0x70: {  	_ =	swait.ge [sflag:s8], $0x8000  }
0x71: {  	[sflag:s8] =	ssyncset.done $0x0  }
0x72: {  	[sflag:s8] =	ssyncadd.s32 $0xFFFF8000  }
0x73: {  	[hbm4b:s23+s3] =	stream.linear.scatter [tilespmem:s3], [sflag:$0x4], $0x8000, $0x38;
	[tilespmem:$0x18400] =	vst v63  }
0x74: {  	_ =	swait.ge [sflag:s4], $0x8000  }
0x75: {  	[sflag:s4] =	ssyncset.done $0x0  }
0x76: {  	[sflag:s4] =	ssyncadd.s32 $0xFFFF8000  }
0x77: {  	[tilespmem:s3], [sflag:$0x1] =	stream.linear.gather [hbm4b:s22+s3], $0x8000, $0x38;
	[tilespmem:$0x18400] =	vst v63  }
0x78: {  	_ =	swait.ge [sflag:s17], $0x8000  }
0x79: {  	[sflag:s17] =	ssyncset.done $0x0  }
0x7a: {  	[sflag:s17] =	ssyncadd.s32 $0xFFFF8000  }
0x7b: {  	[hbm4b:s21+s3] =	stream.linear.scatter [tilespmem:s14], [sflag:$0x5], $0x8000, $0x38;
	[tilespmem:$0x18400] =	vst v63  }
0x7c: {  	_ =	swait.ge [sflag:s11], $0x8000  }
0x7d: {  	[sflag:s11] =	ssyncset.done $0x0  }
0x7e: {  	[sflag:s11] =	ssyncadd.s32 $0xFFFF8000  }
0x7f: {  	[tilespmem:s14], [sflag:$0x2] =	stream.linear.gather [hbm4b:s20+s3], $0x8000, $0x38;
	[tilespmem:$0x18400] =	vst v63  }
0x80: {  	_ =	swait.ge [sflag:s18], $0x8000  }
0x81: {  	[sflag:s18] =	ssyncset.done $0x0  }
0x82: {  	[sflag:s18] =	ssyncadd.s32 $0xFFFF8000  }
0x83: {  	[hbm4b:s19+s3] =	stream.linear.scatter [tilespmem:s10], [sflag:$0x6], $0x8000, $0x38;
	[tilespmem:$0x18400] =	vst v63  }
0x84: {  	_ =	swait.ge [sflag:s9], $0x8000  }
0x85: {  	[sflag:s9] =	ssyncset.done $0x0  }
0x86: {  	[sflag:s9] =	ssyncadd.s32 $0xFFFF8000  }
0x87: {  	[tilespmem:s10], [sflag:$0x3] =	stream.linear.gather [hbm4b:s16+s3], $0x8000, $0x38;
	[tilespmem:$0x18400] =	vst v63  }
0x88: {  	_ =	swait.ge [sflag:s8], $0x8000  }
0x89: {  	[sflag:s8] =	ssyncset.done $0x0  }
0x8a: {  	[sflag:s8] =	ssyncadd.s32 $0xFFFF8000  }
0x8b: {  	[hbm4b:s15+s3] =	stream.linear.scatter [tilespmem:s3], [sflag:$0x4], $0x8000, $0x38;
	[tilespmem:$0x18400] =	vst v63  }
0x8c: {  	_ =	swait.ge [sflag:s4], $0x8000  }
0x8d: {  	[sflag:s4] =	ssyncset.done $0x0  }
0x8e: {  	[sflag:s4] =	ssyncadd.s32 $0xFFFF8000  }
0x8f: {  	[tilespmem:s3], [sflag:$0x1] =	stream.linear.gather [hbm4b:s13+s3], $0x8000, $0x38;
	[tilespmem:$0x18400] =	vst v63  }
0x90: {  	_ =	swait.ge [sflag:s17], $0x8000  }
0x91: {  	[sflag:s17] =	ssyncset.done $0x0  }
0x92: {  	[sflag:s17] =	ssyncadd.s32 $0xFFFF8000  }
0x93: {  	[hbm4b:s12+s3] =	stream.linear.scatter [tilespmem:s14], [sflag:$0x5], $0x8000, $0x38;
	[tilespmem:$0x18400] =	vst v63  }
0x94: {  	_ =	swait.ge [sflag:s18], $0x8000  }
0x95: {  	[sflag:s18] =	ssyncset.done $0x0  }
0x96: {  	[sflag:s18] =	ssyncadd.s32 $0xFFFF8000  }
0x97: {  	[hbm4b:s7+s3] =	stream.linear.scatter [tilespmem:s10], [sflag:$0x6], $0x8000, $0x38;
	[tilespmem:$0x18400] =	vst v63  }
0x98: {  	_ =	swait.ge [sflag:s8], $0x8000  }
0x99: {  	[sflag:s8] =	ssyncset.done $0x0  }
0x9a: {  	[sflag:s8] =	ssyncadd.s32 $0xFFFF8000  }
0x9b: {  	[hbm4b:s6+s3] =	stream.linear.scatter [tilespmem:s3], [sflag:$0x4], $0x8000, $0x38;
	[tilespmem:$0x18400] =	vst v63  }
0x9c: {  	_ =	swait.ge [sflag:s11], $0x8000  }
0x9d: {  	[sflag:s11] =	ssyncset.done $0x0  }
0x9e: {  	[sflag:s11] =	ssyncadd.s32 $0xFFFF8000  }
0x9f: {  	_ =	swait.ge [sflag:s9], $0x8000  }
0xa0: {  	[sflag:s9] =	ssyncset.done $0x0  }
0xa1: {  	[sflag:s9] =	ssyncadd.s32 $0xFFFF8000  }
0xa2: {  	s30 =	simm.s32 @!p0 $0x0;
	_ =	swait.ge [sflag:s4], $0x8000  }
0xa3: {  	s31 =	simm.s32 @!p0 $0x18000;
	s0 =	sadd.s32 $0xFFFFFFFF, s0;
	[sflag:s4] =	ssyncset.done $0x0  }
0xa4: {  	s29 =	simm.s32 @!p0 $0x7;
	s1 =	rddreg [dreg:$0x4];
	[sflag:s4] =	ssyncadd.s32 $0xFFFF8000  }
0xa5: {  	[tilespmem:s31], [sflag:$0x7] =	stream.linear.gather @!p0 [hbm4b:s1+s30], $0x400, $0x38;
	[tilespmem:$0x18400] =	vst v63  }
0xa6: {  	p2 =	sne.s32 s0, $0x0;
	_ =	swait.ge @!p0 [sflag:s29], $0x400  }
.Ltmp1:
0xa7: {  	[sflag:s29] =	ssyncset.done @!p0 $0x0;
	(pc) =	sbr.rel @!p2 .LBB2_3-.Ltmp1, $4  }
0xa8: {  	[sflag:s29] =	ssyncadd.s32 @!p0 $0xFFFFFC00  }
0xa9: {  	[hbm4b:s2+s30] =	stream.linear.scatter @!p0 [tilespmem:s31], [sflag:$0x7], $0x400, $0x38;
	[tilespmem:$0x18400] =	vst v63  }
0xaa: {  	_ =	swait.ge @!p0 [sflag:s29], $0x400  }
0xab: {  	p1 =	por $0x1, $0x1;
	s1 =	rddreg [dreg:$0x5];
	[sflag:s29] =	ssyncset.done @!p0 $0x0  }
.LBB2_4:
0xac: {  	[sflag:s29] =	ssyncadd.s32 @!p0 $0xFFFFFC00  }
0xad: {  	[tilespmem:s3], [sflag:$0x1] =	stream.linear.gather [hbm4b:s1+s3], $0x8000, $0x38;
	[tilespmem:$0x18400] =	vst v63  }
0xae: {  	s5 =	smov.u32 s2;
	s2 =	rddreg [dreg:$0x6]  }
0xaf: {  	[tilespmem:s14], [sflag:$0x2] =	stream.linear.gather [hbm4b:s2+s3], $0x8000, $0x38;
	[tilespmem:$0x18400] =	vst v63  }
0xb0: {  	s1 =	rddreg [dreg:$0x7]  }
0xb1: {  	[tilespmem:s10], [sflag:$0x3] =	stream.linear.gather [hbm4b:s1+s3], $0x8000, $0x38;
	[tilespmem:$0x18400] =	vst v63  }
0xb2: {  	_ =	swait.ge [sflag:s8], $0x8000  }
0xb3: {  	[sflag:s8] =	ssyncset.done $0x0  }
0xb4: {  	s1 =	rddreg [dreg:$0x8];
	[sflag:s8] =	ssyncadd.s32 $0xFFFF8000  }
0xb5: {  	[hbm4b:s1+s3] =	stream.linear.scatter [tilespmem:s3], [sflag:$0x4], $0x8000, $0x38;
	[tilespmem:$0x18400] =	vst v63  }
0xb6: {  	_ =	swait.ge [sflag:s4], $0x8000  }
0xb7: {  	[sflag:s4] =	ssyncset.done $0x0  }
0xb8: {  	s1 =	rddreg [dreg:$0x9];
	[sflag:s4] =	ssyncadd.s32 $0xFFFF8000  }
0xb9: {  	[tilespmem:s3], [sflag:$0x1] =	stream.linear.gather [hbm4b:s1+s3], $0x8000, $0x38;
	[tilespmem:$0x18400] =	vst v63  }
0xba: {  	_ =	swait.ge [sflag:s17], $0x8000  }
0xbb: {  	[sflag:s17] =	ssyncset.done $0x0  }
0xbc: {  	s1 =	rddreg [dreg:$0xa];
	[sflag:s17] =	ssyncadd.s32 $0xFFFF8000  }
0xbd: {  	[hbm4b:s1+s3] =	stream.linear.scatter [tilespmem:s14], [sflag:$0x5], $0x8000, $0x38;
	[tilespmem:$0x18400] =	vst v63  }
0xbe: {  	_ =	swait.ge [sflag:s11], $0x8000  }
0xbf: {  	[sflag:s11] =	ssyncset.done $0x0  }
0xc0: {  	s1 =	rddreg [dreg:$0xb];
	[sflag:s11] =	ssyncadd.s32 $0xFFFF8000  }
0xc1: {  	[tilespmem:s14], [sflag:$0x2] =	stream.linear.gather [hbm4b:s1+s3], $0x8000, $0x38;
	[tilespmem:$0x18400] =	vst v63  }
0xc2: {  	_ =	swait.ge [sflag:s18], $0x8000  }
0xc3: {  	[sflag:s18] =	ssyncset.done $0x0  }
0xc4: {  	s1 =	rddreg [dreg:$0xc];
	[sflag:s18] =	ssyncadd.s32 $0xFFFF8000  }
0xc5: {  	[hbm4b:s1+s3] =	stream.linear.scatter [tilespmem:s10], [sflag:$0x6], $0x8000, $0x38;
	[tilespmem:$0x18400] =	vst v63  }
0xc6: {  	_ =	swait.ge [sflag:s9], $0x8000  }
0xc7: {  	[sflag:s9] =	ssyncset.done $0x0  }
0xc8: {  	s1 =	rddreg [dreg:$0xd];
	[sflag:s9] =	ssyncadd.s32 $0xFFFF8000  }
0xc9: {  	[tilespmem:s10], [sflag:$0x3] =	stream.linear.gather [hbm4b:s1+s3], $0x8000, $0x38;
	[tilespmem:$0x18400] =	vst v63  }
0xca: {  	_ =	swait.ge [sflag:s8], $0x8000  }
0xcb: {  	[sflag:s8] =	ssyncset.done $0x0  }
0xcc: {  	s1 =	rddreg [dreg:$0xe];
	[sflag:s8] =	ssyncadd.s32 $0xFFFF8000  }
0xcd: {  	[hbm4b:s1+s3] =	stream.linear.scatter [tilespmem:s3], [sflag:$0x4], $0x8000, $0x38;
	[tilespmem:$0x18400] =	vst v63  }
0xce: {  	_ =	swait.ge [sflag:s4], $0x8000  }
0xcf: {  	[sflag:s4] =	ssyncset.done $0x0  }
0xd0: {  	s1 =	rddreg [dreg:$0xf];
	[sflag:s4] =	ssyncadd.s32 $0xFFFF8000  }
0xd1: {  	[tilespmem:s3], [sflag:$0x1] =	stream.linear.gather [hbm4b:s1+s3], $0x8000, $0x38;
	[tilespmem:$0x18400] =	vst v63  }
0xd2: {  	_ =	swait.ge [sflag:s17], $0x8000  }
0xd3: {  	[sflag:s17] =	ssyncset.done $0x0  }
0xd4: {  	s1 =	rddreg [dreg:$0x10];
	[sflag:s17] =	ssyncadd.s32 $0xFFFF8000  }
0xd5: {  	[hbm4b:s1+s3] =	stream.linear.scatter [tilespmem:s14], [sflag:$0x5], $0x8000, $0x38;
	[tilespmem:$0x18400] =	vst v63  }
0xd6: {  	_ =	swait.ge [sflag:s11], $0x8000  }
0xd7: {  	[sflag:s11] =	ssyncset.done $0x0  }
0xd8: {  	s1 =	rddreg [dreg:$0x11];
	[sflag:s11] =	ssyncadd.s32 $0xFFFF8000  }
0xd9: {  	[tilespmem:s14], [sflag:$0x2] =	stream.linear.gather [hbm4b:s1+s3], $0x8000, $0x38;
	[tilespmem:$0x18400] =	vst v63  }
0xda: {  	_ =	swait.ge [sflag:s18], $0x8000  }
0xdb: {  	[sflag:s18] =	ssyncset.done $0x0  }
0xdc: {  	s1 =	rddreg [dreg:$0x12];
	[sflag:s18] =	ssyncadd.s32 $0xFFFF8000  }
0xdd: {  	[hbm4b:s1+s3] =	stream.linear.scatter [tilespmem:s10], [sflag:$0x6], $0x8000, $0x38;
	[tilespmem:$0x18400] =	vst v63  }
0xde: {  	_ =	swait.ge [sflag:s9], $0x8000  }
0xdf: {  	[sflag:s9] =	ssyncset.done $0x0  }
0xe0: {  	s1 =	rddreg [dreg:$0x13];
	[sflag:s9] =	ssyncadd.s32 $0xFFFF8000  }
0xe1: {  	[tilespmem:s10], [sflag:$0x3] =	stream.linear.gather [hbm4b:s1+s3], $0x8000, $0x38;
	[tilespmem:$0x18400] =	vst v63  }
0xe2: {  	_ =	swait.ge [sflag:s8], $0x8000  }
0xe3: {  	[sflag:s8] =	ssyncset.done $0x0  }
0xe4: {  	s1 =	rddreg [dreg:$0x14];
	[sflag:s8] =	ssyncadd.s32 $0xFFFF8000  }
0xe5: {  	[hbm4b:s1+s3] =	stream.linear.scatter [tilespmem:s3], [sflag:$0x4], $0x8000, $0x38;
	[tilespmem:$0x18400] =	vst v63  }
0xe6: {  	_ =	swait.ge [sflag:s4], $0x8000  }
0xe7: {  	[sflag:s4] =	ssyncset.done $0x0  }
0xe8: {  	[sflag:s4] =	ssyncadd.s32 $0xFFFF8000  }
0xe9: {  	[tilespmem:s3], [sflag:$0x1] =	stream.linear.gather [hbm4b:s28+s3], $0x8000, $0x38;
	[tilespmem:$0x18400] =	vst v63  }
0xea: {  	_ =	swait.ge [sflag:s17], $0x8000  }
0xeb: {  	[sflag:s17] =	ssyncset.done $0x0  }
0xec: {  	s1 =	rddreg [dreg:$0x15];
	[sflag:s17] =	ssyncadd.s32 $0xFFFF8000  }
0xed: {  	[hbm4b:s1+s3] =	stream.linear.scatter [tilespmem:s14], [sflag:$0x5], $0x8000, $0x38;
	[tilespmem:$0x18400] =	vst v63  }
0xee: {  	_ =	swait.ge [sflag:s11], $0x8000  }
0xef: {  	[sflag:s11] =	ssyncset.done $0x0  }
0xf0: {  	[sflag:s11] =	ssyncadd.s32 $0xFFFF8000  }
0xf1: {  	[tilespmem:s14], [sflag:$0x2] =	stream.linear.gather [hbm4b:s26+s3], $0x8000, $0x38;
	[tilespmem:$0x18400] =	vst v63  }
0xf2: {  	_ =	swait.ge [sflag:s18], $0x8000  }
0xf3: {  	[sflag:s18] =	ssyncset.done $0x0  }
0xf4: {  	[sflag:s18] =	ssyncadd.s32 $0xFFFF8000  }
0xf5: {  	[hbm4b:s25+s3] =	stream.linear.scatter [tilespmem:s10], [sflag:$0x6], $0x8000, $0x38;
	[tilespmem:$0x18400] =	vst v63  }
0xf6: {  	_ =	swait.ge [sflag:s9], $0x8000  }
0xf7: {  	[sflag:s9] =	ssyncset.done $0x0  }
0xf8: {  	[sflag:s9] =	ssyncadd.s32 $0xFFFF8000  }
0xf9: {  	[tilespmem:s10], [sflag:$0x3] =	stream.linear.gather [hbm4b:s24+s3], $0x8000, $0x38;
	[tilespmem:$0x18400] =	vst v63  }
0xfa: {  	_ =	swait.ge [sflag:s8], $0x8000  }
0xfb: {  	[sflag:s8] =	ssyncset.done $0x0  }
0xfc: {  	[sflag:s8] =	ssyncadd.s32 $0xFFFF8000  }
0xfd: {  	[hbm4b:s23+s3] =	stream.linear.scatter [tilespmem:s3], [sflag:$0x4], $0x8000, $0x38;
	[tilespmem:$0x18400] =	vst v63  }
0xfe: {  	_ =	swait.ge [sflag:s4], $0x8000  }
0xff: {  	[sflag:s4] =	ssyncset.done $0x0  }
0x100: {  	[sflag:s4] =	ssyncadd.s32 $0xFFFF8000  }
0x101: {  	[tilespmem:s3], [sflag:$0x1] =	stream.linear.gather [hbm4b:s22+s3], $0x8000, $0x38;
	[tilespmem:$0x18400] =	vst v63  }
0x102: {  	_ =	swait.ge [sflag:s17], $0x8000  }
0x103: {  	[sflag:s17] =	ssyncset.done $0x0  }
0x104: {  	[sflag:s17] =	ssyncadd.s32 $0xFFFF8000  }
0x105: {  	[hbm4b:s21+s3] =	stream.linear.scatter [tilespmem:s14], [sflag:$0x5], $0x8000, $0x38;
	[tilespmem:$0x18400] =	vst v63  }
0x106: {  	_ =	swait.ge [sflag:s11], $0x8000  }
0x107: {  	[sflag:s11] =	ssyncset.done $0x0  }
0x108: {  	[sflag:s11] =	ssyncadd.s32 $0xFFFF8000  }
0x109: {  	[tilespmem:s14], [sflag:$0x2] =	stream.linear.gather [hbm4b:s20+s3], $0x8000, $0x38;
	[tilespmem:$0x18400] =	vst v63  }
0x10a: {  	_ =	swait.ge [sflag:s18], $0x8000  }
0x10b: {  	[sflag:s18] =	ssyncset.done $0x0  }
0x10c: {  	[sflag:s18] =	ssyncadd.s32 $0xFFFF8000  }
0x10d: {  	[hbm4b:s19+s3] =	stream.linear.scatter [tilespmem:s10], [sflag:$0x6], $0x8000, $0x38;
	[tilespmem:$0x18400] =	vst v63  }
0x10e: {  	_ =	swait.ge [sflag:s9], $0x8000  }
0x10f: {  	[sflag:s9] =	ssyncset.done $0x0  }
0x110: {  	[sflag:s9] =	ssyncadd.s32 $0xFFFF8000  }
0x111: {  	[tilespmem:s10], [sflag:$0x3] =	stream.linear.gather [hbm4b:s16+s3], $0x8000, $0x38;
	[tilespmem:$0x18400] =	vst v63  }
0x112: {  	_ =	swait.ge [sflag:s8], $0x8000  }
0x113: {  	[sflag:s8] =	ssyncset.done $0x0  }
0x114: {  	[sflag:s8] =	ssyncadd.s32 $0xFFFF8000  }
0x115: {  	[hbm4b:s15+s3] =	stream.linear.scatter [tilespmem:s3], [sflag:$0x4], $0x8000, $0x38;
	[tilespmem:$0x18400] =	vst v63  }
0x116: {  	_ =	swait.ge [sflag:s4], $0x8000  }
0x117: {  	[sflag:s4] =	ssyncset.done $0x0  }
0x118: {  	[sflag:s4] =	ssyncadd.s32 $0xFFFF8000  }
0x119: {  	[tilespmem:s3], [sflag:$0x1] =	stream.linear.gather [hbm4b:s13+s3], $0x8000, $0x38;
	[tilespmem:$0x18400] =	vst v63  }
0x11a: {  	_ =	swait.ge [sflag:s17], $0x8000  }
0x11b: {  	[sflag:s17] =	ssyncset.done $0x0  }
0x11c: {  	[sflag:s17] =	ssyncadd.s32 $0xFFFF8000  }
0x11d: {  	[hbm4b:s12+s3] =	stream.linear.scatter [tilespmem:s14], [sflag:$0x5], $0x8000, $0x38;
	[tilespmem:$0x18400] =	vst v63  }
0x11e: {  	_ =	swait.ge [sflag:s18], $0x8000  }
0x11f: {  	[sflag:s18] =	ssyncset.done $0x0  }
0x120: {  	[sflag:s18] =	ssyncadd.s32 $0xFFFF8000  }
0x121: {  	[hbm4b:s7+s3] =	stream.linear.scatter [tilespmem:s10], [sflag:$0x6], $0x8000, $0x38;
	[tilespmem:$0x18400] =	vst v63  }
0x122: {  	_ =	swait.ge [sflag:s8], $0x8000  }
0x123: {  	[sflag:s8] =	ssyncset.done $0x0  }
0x124: {  	[sflag:s8] =	ssyncadd.s32 $0xFFFF8000  }
0x125: {  	[hbm4b:s6+s3] =	stream.linear.scatter [tilespmem:s3], [sflag:$0x4], $0x8000, $0x38;
	[tilespmem:$0x18400] =	vst v63  }
0x126: {  	_ =	swait.ge [sflag:s11], $0x8000  }
0x127: {  	[sflag:s11] =	ssyncset.done $0x0  }
0x128: {  	[sflag:s11] =	ssyncadd.s32 $0xFFFF8000  }
0x129: {  	_ =	swait.ge [sflag:s9], $0x8000  }
0x12a: {  	[sflag:s9] =	ssyncset.done $0x0  }
0x12b: {  	[sflag:s9] =	ssyncadd.s32 $0xFFFF8000  }
0x12c: {  	_ =	swait.ge [sflag:s4], $0x8000  }
0x12d: {  	[sflag:s4] =	ssyncset.done $0x0  }
0x12e: {  	s0 =	sadd.s32 $0xFFFFFFFF, s0;
	s1 =	rddreg [dreg:$0x4];
	[sflag:s4] =	ssyncadd.s32 $0xFFFF8000  }
0x12f: {  	[tilespmem:s31], [sflag:$0x7] =	stream.linear.gather @!p0 [hbm4b:s1+s30], $0x400, $0x38;
	[tilespmem:$0x18400] =	vst v63  }
0x130: {  	p2 =	sne.s32 s0, $0x0;
	_ =	swait.ge @!p0 [sflag:s29], $0x400  }
.Ltmp2:
0x131: {  	[sflag:s29] =	ssyncset.done @!p0 $0x0;
	(pc) =	sbr.rel @p2 .LBB2_4-.Ltmp2, $4  }
0x132: {  	[sflag:s29] =	ssyncadd.s32 @!p0 $0xFFFFFC00  }
0x133: {  	[hbm4b:s5+s30] =	stream.linear.scatter @!p0 [tilespmem:s31], [sflag:$0x7], $0x400, $0x38;
	[tilespmem:$0x18400] =	vst v63  }
0x134: {  	_ =	swait.ge @!p0 [sflag:s29], $0x400  }
0x135: {  	s2 =	smov.u32 s5;
	s1 =	rddreg [dreg:$0x5];
	[sflag:s29] =	ssyncset.done @!p0 $0x0  }
0x136: {  	s31 =	rddreg [dreg:$0x15];
	s30 =	stileid.u32  }
.LBB2_6:
0x137: {  	p1 =	por p0, !p1  }
0x138: {  	[sflag:s29] =	ssyncadd.s32 @!p1 $0xFFFFFC00  }
0x139: {  	[tilespmem:s3], [sflag:$0x1] =	stream.linear.gather [hbm4b:s1+s3], $0x8000, $0x38;
	[tilespmem:$0x18400] =	vst v63  }
0x13a: {  	s0 =	rddreg [dreg:$0x6]  }
0x13b: {  	[tilespmem:s14], [sflag:$0x2] =	stream.linear.gather [hbm4b:s0+s3], $0x8000, $0x38;
	[tilespmem:$0x18400] =	vst v63  }
0x13c: {  	s2 =	rddreg [dreg:$0x7]  }
0x13d: {  	[tilespmem:s10], [sflag:$0x3] =	stream.linear.gather [hbm4b:s2+s3], $0x8000, $0x38;
	[tilespmem:$0x18400] =	vst v63  }
0x13e: {  	_ =	swait.ge [sflag:s8], $0x8000  }
0x13f: {  	[sflag:s8] =	ssyncset.done $0x0  }
0x140: {  	s29 =	rddreg [dreg:$0x8];
	[sflag:s8] =	ssyncadd.s32 $0xFFFF8000  }
0x141: {  	[hbm4b:s29+s3] =	stream.linear.scatter [tilespmem:s3], [sflag:$0x4], $0x8000, $0x38;
	[tilespmem:$0x18400] =	vst v63  }
0x142: {  	_ =	swait.ge [sflag:s4], $0x8000  }
0x143: {  	[sflag:s4] =	ssyncset.done $0x0  }
0x144: {  	s1 =	rddreg [dreg:$0x9];
	[sflag:s4] =	ssyncadd.s32 $0xFFFF8000  }
0x145: {  	[tilespmem:s3], [sflag:$0x1] =	stream.linear.gather [hbm4b:s1+s3], $0x8000, $0x38;
	[tilespmem:$0x18400] =	vst v63  }
0x146: {  	_ =	swait.ge [sflag:s17], $0x8000  }
0x147: {  	[sflag:s17] =	ssyncset.done $0x0  }
0x148: {  	s2 =	rddreg [dreg:$0xa];
	[sflag:s17] =	ssyncadd.s32 $0xFFFF8000  }
0x149: {  	[hbm4b:s2+s3] =	stream.linear.scatter [tilespmem:s14], [sflag:$0x5], $0x8000, $0x38;
	[tilespmem:$0x18400] =	vst v63  }
0x14a: {  	_ =	swait.ge [sflag:s11], $0x8000  }
0x14b: {  	[sflag:s11] =	ssyncset.done $0x0  }
0x14c: {  	s29 =	rddreg [dreg:$0xb];
	[sflag:s11] =	ssyncadd.s32 $0xFFFF8000  }
0x14d: {  	[tilespmem:s14], [sflag:$0x2] =	stream.linear.gather [hbm4b:s29+s3], $0x8000, $0x38;
	[tilespmem:$0x18400] =	vst v63  }
0x14e: {  	_ =	swait.ge [sflag:s18], $0x8000  }
0x14f: {  	[sflag:s18] =	ssyncset.done $0x0  }
0x150: {  	s1 =	rddreg [dreg:$0xc];
	[sflag:s18] =	ssyncadd.s32 $0xFFFF8000  }
0x151: {  	[hbm4b:s1+s3] =	stream.linear.scatter [tilespmem:s10], [sflag:$0x6], $0x8000, $0x38;
	[tilespmem:$0x18400] =	vst v63  }
0x152: {  	_ =	swait.ge [sflag:s9], $0x8000  }
0x153: {  	[sflag:s9] =	ssyncset.done $0x0  }
0x154: {  	s2 =	rddreg [dreg:$0xd];
	[sflag:s9] =	ssyncadd.s32 $0xFFFF8000  }
0x155: {  	[tilespmem:s10], [sflag:$0x3] =	stream.linear.gather [hbm4b:s2+s3], $0x8000, $0x38;
	[tilespmem:$0x18400] =	vst v63  }
0x156: {  	_ =	swait.ge [sflag:s8], $0x8000  }
0x157: {  	[sflag:s8] =	ssyncset.done $0x0  }
0x158: {  	s29 =	rddreg [dreg:$0xe];
	[sflag:s8] =	ssyncadd.s32 $0xFFFF8000  }
0x159: {  	[hbm4b:s29+s3] =	stream.linear.scatter [tilespmem:s3], [sflag:$0x4], $0x8000, $0x38;
	[tilespmem:$0x18400] =	vst v63  }
0x15a: {  	_ =	swait.ge [sflag:s4], $0x8000  }
0x15b: {  	[sflag:s4] =	ssyncset.done $0x0  }
0x15c: {  	s1 =	rddreg [dreg:$0xf];
	[sflag:s4] =	ssyncadd.s32 $0xFFFF8000  }
0x15d: {  	[tilespmem:s3], [sflag:$0x1] =	stream.linear.gather [hbm4b:s1+s3], $0x8000, $0x38;
	[tilespmem:$0x18400] =	vst v63  }
0x15e: {  	_ =	swait.ge [sflag:s17], $0x8000  }
0x15f: {  	[sflag:s17] =	ssyncset.done $0x0  }
0x160: {  	s2 =	rddreg [dreg:$0x10];
	[sflag:s17] =	ssyncadd.s32 $0xFFFF8000  }
0x161: {  	[hbm4b:s2+s3] =	stream.linear.scatter [tilespmem:s14], [sflag:$0x5], $0x8000, $0x38;
	[tilespmem:$0x18400] =	vst v63  }
0x162: {  	_ =	swait.ge [sflag:s11], $0x8000  }
0x163: {  	[sflag:s11] =	ssyncset.done $0x0  }
0x164: {  	s29 =	rddreg [dreg:$0x11];
	[sflag:s11] =	ssyncadd.s32 $0xFFFF8000  }
0x165: {  	[tilespmem:s14], [sflag:$0x2] =	stream.linear.gather [hbm4b:s29+s3], $0x8000, $0x38;
	[tilespmem:$0x18400] =	vst v63  }
0x166: {  	_ =	swait.ge [sflag:s18], $0x8000  }
0x167: {  	[sflag:s18] =	ssyncset.done $0x0  }
0x168: {  	s1 =	rddreg [dreg:$0x12];
	[sflag:s18] =	ssyncadd.s32 $0xFFFF8000  }
0x169: {  	[hbm4b:s1+s3] =	stream.linear.scatter [tilespmem:s10], [sflag:$0x6], $0x8000, $0x38;
	[tilespmem:$0x18400] =	vst v63  }
0x16a: {  	_ =	swait.ge [sflag:s9], $0x8000  }
0x16b: {  	[sflag:s9] =	ssyncset.done $0x0  }
0x16c: {  	s2 =	rddreg [dreg:$0x13];
	[sflag:s9] =	ssyncadd.s32 $0xFFFF8000  }
0x16d: {  	[tilespmem:s10], [sflag:$0x3] =	stream.linear.gather [hbm4b:s2+s3], $0x8000, $0x38;
	[tilespmem:$0x18400] =	vst v63  }
0x16e: {  	_ =	swait.ge [sflag:s8], $0x8000  }
0x16f: {  	[sflag:s8] =	ssyncset.done $0x0  }
0x170: {  	s29 =	rddreg [dreg:$0x14];
	[sflag:s8] =	ssyncadd.s32 $0xFFFF8000  }
0x171: {  	[hbm4b:s29+s3] =	stream.linear.scatter [tilespmem:s3], [sflag:$0x4], $0x8000, $0x38;
	[tilespmem:$0x18400] =	vst v63  }
0x172: {  	_ =	swait.ge [sflag:s4], $0x8000  }
0x173: {  	[sflag:s4] =	ssyncset.done $0x0  }
0x174: {  	[sflag:s4] =	ssyncadd.s32 $0xFFFF8000  }
0x175: {  	[tilespmem:s3], [sflag:$0x1] =	stream.linear.gather [hbm4b:s28+s3], $0x8000, $0x38;
	[tilespmem:$0x18400] =	vst v63  }
0x176: {  	_ =	swait.ge [sflag:s17], $0x8000  }
0x177: {  	[sflag:s17] =	ssyncset.done $0x0  }
0x178: {  	[sflag:s17] =	ssyncadd.s32 $0xFFFF8000  }
0x179: {  	[hbm4b:s31+s3] =	stream.linear.scatter [tilespmem:s14], [sflag:$0x5], $0x8000, $0x38;
	[tilespmem:$0x18400] =	vst v63  }
0x17a: {  	_ =	swait.ge [sflag:s11], $0x8000  }
0x17b: {  	[sflag:s11] =	ssyncset.done $0x0  }
0x17c: {  	[sflag:s11] =	ssyncadd.s32 $0xFFFF8000  }
0x17d: {  	[tilespmem:s14], [sflag:$0x2] =	stream.linear.gather [hbm4b:s26+s3], $0x8000, $0x38;
	[tilespmem:$0x18400] =	vst v63  }
0x17e: {  	_ =	swait.ge [sflag:s18], $0x8000  }
0x17f: {  	[sflag:s18] =	ssyncset.done $0x0  }
0x180: {  	[sflag:s18] =	ssyncadd.s32 $0xFFFF8000  }
0x181: {  	[hbm4b:s25+s3] =	stream.linear.scatter [tilespmem:s10], [sflag:$0x6], $0x8000, $0x38;
	[tilespmem:$0x18400] =	vst v63  }
0x182: {  	_ =	swait.ge [sflag:s9], $0x8000  }
0x183: {  	[sflag:s9] =	ssyncset.done $0x0  }
0x184: {  	[sflag:s9] =	ssyncadd.s32 $0xFFFF8000  }
0x185: {  	[tilespmem:s10], [sflag:$0x3] =	stream.linear.gather [hbm4b:s24+s3], $0x8000, $0x38;
	[tilespmem:$0x18400] =	vst v63  }
0x186: {  	_ =	swait.ge [sflag:s8], $0x8000  }
0x187: {  	[sflag:s8] =	ssyncset.done $0x0  }
0x188: {  	[sflag:s8] =	ssyncadd.s32 $0xFFFF8000  }
0x189: {  	[hbm4b:s23+s3] =	stream.linear.scatter [tilespmem:s3], [sflag:$0x4], $0x8000, $0x38;
	[tilespmem:$0x18400] =	vst v63  }
0x18a: {  	_ =	swait.ge [sflag:s4], $0x8000  }
0x18b: {  	[sflag:s4] =	ssyncset.done $0x0  }
0x18c: {  	[sflag:s4] =	ssyncadd.s32 $0xFFFF8000  }
0x18d: {  	[tilespmem:s3], [sflag:$0x1] =	stream.linear.gather [hbm4b:s22+s3], $0x8000, $0x38;
	[tilespmem:$0x18400] =	vst v63  }
0x18e: {  	_ =	swait.ge [sflag:s17], $0x8000  }
0x18f: {  	[sflag:s17] =	ssyncset.done $0x0  }
0x190: {  	[sflag:s17] =	ssyncadd.s32 $0xFFFF8000  }
0x191: {  	[hbm4b:s21+s3] =	stream.linear.scatter [tilespmem:s14], [sflag:$0x5], $0x8000, $0x38;
	[tilespmem:$0x18400] =	vst v63  }
0x192: {  	_ =	swait.ge [sflag:s11], $0x8000  }
0x193: {  	[sflag:s11] =	ssyncset.done $0x0  }
0x194: {  	[sflag:s11] =	ssyncadd.s32 $0xFFFF8000  }
0x195: {  	[tilespmem:s14], [sflag:$0x2] =	stream.linear.gather [hbm4b:s20+s3], $0x8000, $0x38;
	[tilespmem:$0x18400] =	vst v63  }
0x196: {  	_ =	swait.ge [sflag:s18], $0x8000  }
0x197: {  	[sflag:s18] =	ssyncset.done $0x0  }
0x198: {  	[sflag:s18] =	ssyncadd.s32 $0xFFFF8000  }
0x199: {  	[hbm4b:s19+s3] =	stream.linear.scatter [tilespmem:s10], [sflag:$0x6], $0x8000, $0x38;
	[tilespmem:$0x18400] =	vst v63  }
0x19a: {  	_ =	swait.ge [sflag:s9], $0x8000  }
0x19b: {  	[sflag:s9] =	ssyncset.done $0x0  }
0x19c: {  	[sflag:s9] =	ssyncadd.s32 $0xFFFF8000  }
0x19d: {  	[tilespmem:s10], [sflag:$0x3] =	stream.linear.gather [hbm4b:s16+s3], $0x8000, $0x38;
	[tilespmem:$0x18400] =	vst v63  }
0x19e: {  	_ =	swait.ge [sflag:s8], $0x8000  }
0x19f: {  	[sflag:s8] =	ssyncset.done $0x0  }
0x1a0: {  	[sflag:s8] =	ssyncadd.s32 $0xFFFF8000  }
0x1a1: {  	[hbm4b:s15+s3] =	stream.linear.scatter [tilespmem:s3], [sflag:$0x4], $0x8000, $0x38;
	[tilespmem:$0x18400] =	vst v63  }
0x1a2: {  	_ =	swait.ge [sflag:s4], $0x8000  }
0x1a3: {  	[sflag:s4] =	ssyncset.done $0x0  }
0x1a4: {  	[sflag:s4] =	ssyncadd.s32 $0xFFFF8000  }
0x1a5: {  	[tilespmem:s3], [sflag:$0x1] =	stream.linear.gather [hbm4b:s13+s3], $0x8000, $0x38;
	[tilespmem:$0x18400] =	vst v63  }
0x1a6: {  	_ =	swait.ge [sflag:s17], $0x8000  }
0x1a7: {  	[sflag:s17] =	ssyncset.done $0x0  }
0x1a8: {  	[sflag:s17] =	ssyncadd.s32 $0xFFFF8000  }
0x1a9: {  	[hbm4b:s12+s3] =	stream.linear.scatter [tilespmem:s14], [sflag:$0x5], $0x8000, $0x38;
	[tilespmem:$0x18400] =	vst v63  }
0x1aa: {  	_ =	swait.ge [sflag:s18], $0x8000  }
0x1ab: {  	[sflag:s18] =	ssyncset.done $0x0  }
0x1ac: {  	[sflag:s18] =	ssyncadd.s32 $0xFFFF8000  }
0x1ad: {  	[hbm4b:s7+s3] =	stream.linear.scatter [tilespmem:s10], [sflag:$0x6], $0x8000, $0x38;
	[tilespmem:$0x18400] =	vst v63  }
0x1ae: {  	_ =	swait.ge [sflag:s8], $0x8000  }
0x1af: {  	[sflag:s8] =	ssyncset.done $0x0  }
0x1b0: {  	[sflag:s8] =	ssyncadd.s32 $0xFFFF8000  }
0x1b1: {  	[hbm4b:s6+s3] =	stream.linear.scatter [tilespmem:s3], [sflag:$0x4], $0x8000, $0x38;
	[tilespmem:$0x18400] =	vst v63  }
0x1b2: {  	_ =	swait.ge [sflag:s11], $0x8000  }
0x1b3: {  	[sflag:s11] =	ssyncset.done $0x0  }
0x1b4: {  	[sflag:s11] =	ssyncadd.s32 $0xFFFF8000  }
0x1b5: {  	_ =	swait.ge [sflag:s9], $0x8000  }
0x1b6: {  	[sflag:s9] =	ssyncset.done $0x0  }
0x1b7: {  	[sflag:s9] =	ssyncadd.s32 $0xFFFF8000  }
0x1b8: {  	_ =	swait.ge [sflag:s4], $0x8000  }
0x1b9: {  	s1 =	simm.s32 @!p0 $0x0;
	[sflag:s4] =	ssyncset.done $0x0  }
0x1ba: {  	s2 =	simm.s32 @!p0 $0x18000;
	s0 =	rddreg [dreg:$0x4];
	[sflag:s4] =	ssyncadd.s32 $0xFFFF8000  }
0x1bb: {  	[tilespmem:s2], [sflag:$0x7] =	stream.linear.gather @!p0 [hbm4b:s0+s1], $0x400, $0x38;
	[tilespmem:$0x18400] =	vst v63  }
0x1bc: {  	s0 =	simm.s32 @!p0 $0x7  }
0x1bd: {  	_ =	swait.ge @!p0 [sflag:s0], $0x400  }
0x1be: {  	[sflag:s0] =	ssyncset.done @!p0 $0x0  }
0x1bf: {  	[sflag:s0] =	ssyncadd.s32 @!p0 $0xFFFFFC00  }
0x1c0: {  	[hbm4b:s5+s1] =	stream.linear.scatter @!p0 [tilespmem:s2], [sflag:$0x7], $0x400, $0x38;
	[tilespmem:$0x18400] =	vst v63  }
0x1c1: {  	_ =	swait.ge @!p0 [sflag:s0], $0x400  }
0x1c2: {  	[sflag:s0] =	ssyncset.done @!p0 $0x0  }
0x1c3: {  	[sflag:s0] =	ssyncadd.s32 @!p0 $0xFFFFFC00  }
0x1c4: {  	_ =	sfence.sel $0x180000  }
0x1c5: {  	[bflag:$0x0] =	sbarrier.arrive $0xFFFF  }
0x1c6: {  	_ =	strace $0x90000047  }
0x1c7: {  	[bflag:$0x2] =	sbarrier.arrive $0xFFFF  }
0x1c8: {  	p0 =	sne.s32 s30, $0x0;
	s0 =	rddreg [dreg:$0x3]  }
0x1c9: {  	s0 =	sadd.s32 @!p0 $0x100000, s0  }
0x1ca: {  	[sflag:s0] =	ssyncadd.tile.s32 @!p0 $0x1;
	_ =	shalt  }
.LBB2_1:
.Ltmp3:
0x1cb: {  	(pc) =	sbr.rel .LBB2_6-.Ltmp3, $2  }
0x1cc: {  	_ =	sdelay $0x2  }
0x1cd: {  	s31 =	rddreg [dreg:$0x15];
	s5 =	smov.u32 s2  }
.LBB2_3:
.Ltmp4:
0x1ce: {  	(pc) =	sbr.rel .LBB2_6-.Ltmp4, $2  }
0x1cf: {  	_ =	sdelay $0x2  }
0x1d0: {  	s31 =	rddreg [dreg:$0x15];
	s5 =	smov.u32 s2;
	s30 =	stileid.u32  }
.Lfunc_end2:
_tile_overlayer_lowered:
.L_overlay_start_2:
0x1d1: {  	(tag) =	ssettag $0x2  }
0x1d2: {  	s0 =	rddreg [dreg:$0x0];
	s2 =	stileid.u32  }
0x1d3: {  	s1 =	rddreg [dreg:$0x1];
	p0 =	sne.s32 s2, $0x0  }
0x1d4: {  	s3 =	rddreg [dreg:$0x2];
	[bflag:$0x3] =	sbarrier.arrive $0xFFFF;
	s2 =	simm.s32 @!p0 $0x1C07  }
0x1d5: {  	[timem:s3], [sflag:s2] =	dma.local @!p0 [hbm:s0], s1  }
0x1d6: {  	s0 =	simm.s32 @!p0 $0x7  }
0x1d7: {  	_ =	swait.ge @!p0 [sflag:s0], s1  }
0x1d8: {  	s1 =	ssub.s32 @!p0 $0x0, s1;
	[sflag:s0] =	ssyncset.done @!p0 $0x0  }
0x1d9: {  	[sflag:s0] =	ssyncadd.s32 @!p0 s1  }
0x1da: {  	[bflag:$0x3] =	sbarrier.arrive $0xFFFF  }
0x1db: {  	_ =	shalt  }

</sc_bundles>
